<compile_context>
chip_gen: v7x
topology: tpu7x:2x2x1
jax: 0.10.2.dev20260603
libtpu: 0.0.44.dev20260713+nightly
codegen_flags: <defaults>
</compile_context>

<pallas_src>
import functools

import jax
import jax.numpy as jnp
from jax import lax
from jax.experimental import pallas as pl
from jax.experimental.pallas import tpu as pltpu
from jax.experimental.pallas import tpu_sc as plsc

N = 10000
E = 160000
D = 256
DH = 128
NC = 2
NS = 16
ACC_ROWS = 10240
TRASH = N
E_PAD = 163840
CH = 128
EPT = E_PAD // NS
NCHUNK = EPT // CH
DEG_CH = 64
EPT_DEG = E_PAD // (NC * NS)
NCHUNK_DEG = EPT_DEG // DEG_CH
ZROWS = ACC_ROWS // NS

_mesh = plsc.VectorSubcoreMesh(core_axis_name="c", subcore_axis_name="s")



@functools.partial(
    pl.kernel,
    out_type=jax.ShapeDtypeStruct((NC, ACC_ROWS, 16), jnp.float32),
    mesh=_mesh,
    scratch_types=[
        pltpu.VMEM((DEG_CH,), jnp.int32),
        pltpu.VMEM((DEG_CH, 16), jnp.float32),
        pltpu.VMEM_SHARED((ACC_ROWS, 16), jnp.float32),
    ],
)
def _sc_degree(dst_hbm, ones_hbm, zeros_hbm, out_hbm, dstv, onesv, acc):
    c = lax.axis_index("c")
    s = lax.axis_index("s")
    pltpu.sync_copy(zeros_hbm, acc.at[pl.ds(s * ZROWS, ZROWS)])
    pltpu.sync_copy(ones_hbm, onesv)
    plsc.subcore_barrier()

    base = (c * NS + s) * EPT_DEG

    @pl.loop(0, NCHUNK_DEG)
    def _(k):
        pltpu.sync_copy(dst_hbm.at[pl.ds(base + k * DEG_CH, DEG_CH)], dstv)
        pltpu.sync_copy(onesv, acc.at[dstv], add=True)

    plsc.subcore_barrier()
    pltpu.sync_copy(acc.at[pl.ds(s * ZROWS, ZROWS)],
                    out_hbm.at[c, pl.ds(s * ZROWS, ZROWS)])


@functools.partial(
    pl.kernel,
    out_type=jax.ShapeDtypeStruct((NC, ACC_ROWS, DH), jnp.float32),
    mesh=_mesh,
    scratch_types=[
        pltpu.VMEM((NCHUNK, CH), jnp.int32),
        pltpu.VMEM((NCHUNK, CH), jnp.int32),
        pltpu.VMEM((CH, DH), jnp.float32),
        pltpu.VMEM_SHARED((ACC_ROWS, DH), jnp.float32),
    ],
)
def _sc_aggregate(tbl_hbm, src_hbm, dst_hbm, zeros_hbm, out_hbm,
                  srcv, dstv, rows, acc):
    c = lax.axis_index("c")
    s = lax.axis_index("s")
    pltpu.sync_copy(zeros_hbm, acc.at[pl.ds(s * ZROWS, ZROWS)])
    plsc.subcore_barrier()

    pltpu.sync_copy(src_hbm.at[c, s], srcv)
    pltpu.sync_copy(dst_hbm.at[s], dstv)

    @pl.loop(0, NCHUNK)
    def _(k):
        pltpu.sync_copy(tbl_hbm.at[srcv.at[k]], rows)
        pltpu.sync_copy(rows, acc.at[dstv.at[k]], add=True)

    plsc.subcore_barrier()
    pltpu.sync_copy(acc.at[pl.ds(s * ZROWS, ZROWS)],
                    out_hbm.at[c, pl.ds(s * ZROWS, ZROWS)])



RB = 1000
GRID = N // RB


def _fuse_body(x1, x2, x3, x4, wf, bf, h_out):
    acc = jnp.dot(x1[...], wf[0:128, :], preferred_element_type=jnp.float32,
                  precision=lax.Precision.HIGHEST)
    acc += jnp.dot(x2[...], wf[128:384, :], preferred_element_type=jnp.float32,
                   precision=lax.Precision.HIGHEST)
    acc += jnp.dot(x3[...], wf[384:1024, :], preferred_element_type=jnp.float32,
                   precision=lax.Precision.HIGHEST)
    acc += jnp.dot(x4[...], wf[1024:1280, :], preferred_element_type=jnp.float32,
                   precision=lax.Precision.HIGHEST)
    h_out[...] = jnp.maximum(acc + bf[...], 0.0)


def _tc_fuse(x1, x2, x3, x4, wf, bf):
    return pl.pallas_call(
        _fuse_body,
        grid=(GRID,),
        in_specs=[
            pl.BlockSpec((RB, 128), lambda i: (i, 0)),
            pl.BlockSpec((RB, 256), lambda i: (i, 0)),
            pl.BlockSpec((RB, 640), lambda i: (i, 0)),
            pl.BlockSpec((RB, 256), lambda i: (i, 0)),
            pl.BlockSpec((1280, 256), lambda i: (0, 0)),
            pl.BlockSpec((1, 256), lambda i: (0, 0)),
        ],
        out_specs=pl.BlockSpec((RB, D), lambda i: (i, 0)),
        out_shape=jax.ShapeDtypeStruct((N, D), jnp.float32),
    )(x1, x2, x3, x4, wf, bf)


def _deg_terms(c0, c1):
    deg = c0[:, 0:1] + c1[:, 0:1] + 1.0
    return lax.rsqrt(deg), 1.0 / deg


def _pre_body(h, c0, c1, hp_out):
    r, _ = _deg_terms(c0[...], c1[...])
    hs = h[...] * r
    hp_out[...] = jnp.stack([hs[:, 0:DH], hs[:, DH:D]], axis=0)


def _tc_pre(h, c0, c1):
    return pl.pallas_call(
        _pre_body,
        grid=(GRID,),
        in_specs=[
            pl.BlockSpec((RB, D), lambda i: (i, 0)),
            pl.BlockSpec((RB, 16), lambda i: (i, 0)),
            pl.BlockSpec((RB, 16), lambda i: (i, 0)),
        ],
        out_specs=pl.BlockSpec((NC, RB, DH), lambda i: (0, i, 0)),
        out_shape=jax.ShapeDtypeStruct((NC, N, DH), jnp.float32),
    )(h, c0, c1)


def _post_body(relu, emit_pre, agg, h, c0, c1, w, b, *outs):
    r, inv = _deg_terms(c0[...], c1[...])
    aggcat = jnp.concatenate([agg[0], agg[1]], axis=1)
    m = aggcat * r + h[...] * inv
    z = jnp.dot(m, w[...], preferred_element_type=jnp.float32,
                precision=lax.Precision.HIGHEST) + b[...]
    if relu:
        z = jnp.maximum(z, 0.0)
    outs[0][...] = z
    if emit_pre:
        zs = z * r
        outs[1][...] = jnp.stack([zs[:, 0:DH], zs[:, DH:D]], axis=0)


def _tc_post(agg, h, c0, c1, w, b, relu, emit_pre):
    out_shape = [jax.ShapeDtypeStruct((N, D), jnp.float32)]
    out_specs = [pl.BlockSpec((RB, D), lambda i: (i, 0))]
    if emit_pre:
        out_shape.append(jax.ShapeDtypeStruct((NC, N, DH), jnp.float32))
        out_specs.append(pl.BlockSpec((NC, RB, DH), lambda i: (0, i, 0)))
    return pl.pallas_call(
        functools.partial(_post_body, relu, emit_pre),
        grid=(GRID,),
        in_specs=[
            pl.BlockSpec((NC, RB, DH), lambda i: (0, i, 0)),
            pl.BlockSpec((RB, D), lambda i: (i, 0)),
            pl.BlockSpec((RB, 16), lambda i: (i, 0)),
            pl.BlockSpec((RB, 16), lambda i: (i, 0)),
            pl.BlockSpec((D, D), lambda i: (0, 0)),
            pl.BlockSpec((1, 256), lambda i: (0, 0)),
        ],
        out_specs=out_specs,
        out_shape=out_shape,
    )(agg, h, c0, c1, w, b)



def kernel(x_doc2vec, x_kmer, x_rnafm, x_sim, edge_index,
           W_fuse, b_fuse, W1, b1, W2, b2):
    src = edge_index[0]
    dst = edge_index[1]
    pad = E_PAD - E
    src_p = jnp.concatenate([src, jnp.zeros((pad,), jnp.int32)])
    dst_p = jnp.concatenate([dst, jnp.full((pad,), TRASH, jnp.int32)])
    src2 = jnp.stack([src_p, src_p + N]).reshape(NC, NS, NCHUNK, CH)
    dst3 = dst_p.reshape(NS, NCHUNK, CH)

    ones16 = jnp.ones((DEG_CH, 16), jnp.float32)
    zeros16 = jnp.zeros((ZROWS, 16), jnp.float32)
    zerosd = jnp.zeros((ZROWS, DH), jnp.float32)
    bf = b_fuse.reshape(1, D)
    b1r = b1.reshape(1, D)
    b2r = b2.reshape(1, D)

    cnt = _sc_degree(dst_p, ones16, zeros16)
    c0, c1 = cnt[0], cnt[1]

    h = _tc_fuse(x_doc2vec, x_kmer, x_rnafm, x_sim, W_fuse, bf)
    hp = _tc_pre(h, c0, c1).reshape(NC * N, DH)

    agg1 = _sc_aggregate(hp, src2, dst3, zerosd)
    h1, hp1 = _tc_post(agg1, h, c0, c1, W1, b1r, relu=True, emit_pre=True)

    agg2 = _sc_aggregate(hp1.reshape(NC * N, DH), src2, dst3, zerosd)
    out = _tc_post(agg2, h1, c0, c1, W2, b2r, relu=False, emit_pre=False)
    return out[0]

# --- scband reference (transcript-rebuilt; emitter-appended) ---
"""Pipeline reference for scband-msfeicl-19645180412289 (READ-ONLY COPY).

The authoritative reference and input builder live on the scoring server;
editing this copy changes nothing except your own understanding.
"""

import jax, jax.numpy as jnp
import numpy as np


def setup_inputs(seed: int = 0) -> dict:
    key = jax.random.key(seed)
    ks = jax.random.split(key, 12)
    N = 10000
    E = 160000
    x_doc2vec = jax.random.normal(ks[0], (N, 128), dtype=jnp.float32)
    x_kmer = jax.random.normal(ks[1], (N, 256), dtype=jnp.float32)
    x_rnafm = jax.random.normal(ks[2], (N, 640), dtype=jnp.float32)
    x_sim = jax.random.normal(ks[3], (N, 256), dtype=jnp.float32)
    edge_index = jax.random.randint(ks[4], (2, E), 0, N, dtype=jnp.int32)
    concat_dim = 128 + 256 + 640 + 256
    pro_dim = 256
    W_fuse = jax.random.normal(ks[5], (concat_dim, pro_dim), dtype=jnp.float32) * 0.02
    b_fuse = jnp.zeros((pro_dim,), dtype=jnp.float32)
    W1 = jax.random.normal(ks[6], (pro_dim, pro_dim), dtype=jnp.float32) * 0.02
    b1 = jnp.zeros((pro_dim,), dtype=jnp.float32)
    W2 = jax.random.normal(ks[7], (pro_dim, pro_dim), dtype=jnp.float32) * 0.02
    b2 = jnp.zeros((pro_dim,), dtype=jnp.float32)
    return {"x_doc2vec": x_doc2vec, "x_kmer": x_kmer, "x_rnafm": x_rnafm,
            "x_sim": x_sim, "edge_index": edge_index,
            "W_fuse": W_fuse, "b_fuse": b_fuse,
            "W1": W1, "b1": b1, "W2": W2, "b2": b2}


def reference(x_doc2vec, x_kmer, x_rnafm, x_sim, edge_index,
              W_fuse, b_fuse, W1, b1, W2, b2):
    # Faithful to MSFEICL's GCNFeatureExtractor path (eval mode, dropout off):
    # 1) concatenate the 4 per-node feature modalities
    # 2) dense fusion projection + ReLU
    # 3) 2-layer GCN over the similarity edge_index with symmetric
    #    degree normalization and self-loops (scatter-add aggregation)
    N = x_doc2vec.shape[0]
    x = jnp.concatenate([x_doc2vec, x_kmer, x_rnafm, x_sim], axis=1)
    h = jax.nn.relu(x @ W_fuse + b_fuse)

    src = edge_index[0]
    dst = edge_index[1]
    ones = jnp.ones(src.shape[0], dtype=h.dtype)
    deg = jax.ops.segment_sum(ones, dst, num_segments=N) + 1.0  # +1 self-loop
    norm = jax.lax.rsqrt(deg[src]) * jax.lax.rsqrt(deg[dst])

    def gcn_layer(hin, W, b):
        msgs = hin[src] * norm[:, None]                         # gather
        agg = jax.ops.segment_sum(msgs, dst, num_segments=N)    # scatter-add
        agg = agg + hin / deg[:, None]                          # self-loop term
        return agg @ W + b

    h1 = jax.nn.relu(gcn_layer(h, W1, b1))
    h2 = gcn_layer(h1, W2, b2)
    return h2

if __name__ == "__main__":
    import jax
    _d = setup_inputs()
    print(jax.jit(kernel)(*tuple(_d.values())))

</pallas_src>

<mosaic_0001>
#map = affine_map<(d0, d1) -> (0, 0)>
#map1 = affine_map<(d0, d1) -> (0, 0, 0, 0)>
#map2 = affine_map<(d0, d1) -> (0, 0, 0)>
module attributes {stable_mosaic.version = 14 : i64} {
  func.func @_sc_aggregate(%arg0: i32, %arg1: i32, %arg2: memref<20000x128xf32, #tpu.memory_space<hbm>>, %arg3: memref<2x16x80x128xi32, #tpu.memory_space<hbm>>, %arg4: memref<16x80x128xi32, #tpu.memory_space<hbm>>, %arg5: memref<640x128xf32, #tpu.memory_space<hbm>>, %arg6: memref<2x10240x128xf32, #tpu.memory_space<hbm>>, %arg7: memref<80x128xi32, #tpu.memory_space<vmem>>, %arg8: memref<80x128xi32, #tpu.memory_space<vmem>>, %arg9: memref<128x128xf32, #tpu.memory_space<vmem>>, %arg10: memref<10240x128xf32, #tpu.memory_space<vmem_shared>>) attributes {dimension_semantics = [#tpu.dimension_semantics<core_parallel>, #tpu.dimension_semantics<subcore_parallel>], iteration_bounds = array<i64: 2, 16>, scalar_prefetch = 0 : i64, scratch_operands = 4 : i64, tpu.core_type = #tpu.core_type<sc_vector_subcore>, window_params = [{transform_indices = #map}, {transform_indices = #map1}, {transform_indices = #map2}, {transform_indices = #map}, {transform_indices = #map2}]} {
    %mul3A = arith.constant 640 : i32
    %mul3A_0 = arith.muli %arg1, %mul3A : i32
    "tpu.region"() ({
      %run_scoped3A = tpu.sem_alloc : memref<!tpu.dma_semaphore, #tpu.memory_space<semaphore_mem>>
      %dma_start3A = arith.constant 0 : i32
      %dma_start3A_10 = tpu.memref_slice %arg10[%mul3A_0, %dma_start3A] : memref<10240x128xf32, #tpu.memory_space<vmem_shared>> -> memref<640x128xf32, #tpu.memory_space<vmem_shared>>
      tpu.enqueue_dma source(%arg5 : memref<640x128xf32, #tpu.memory_space<hbm>>) target(%dma_start3A_10 : memref<640x128xf32, #tpu.memory_space<vmem_shared>>) target_semaphore(%run_scoped3A : memref<!tpu.dma_semaphore, #tpu.memory_space<semaphore_mem>>)
      %dma_wait3A = arith.constant 0 : i32
      %dma_wait3A_11 = tpu.memref_slice %arg10[%mul3A_0, %dma_wait3A] : memref<10240x128xf32, #tpu.memory_space<vmem_shared>> -> memref<640x128xf32, #tpu.memory_space<vmem_shared>>
      tpu.wait_dma2 semaphore(%run_scoped3A : memref<!tpu.dma_semaphore, #tpu.memory_space<semaphore_mem>>) src(%arg5 : memref<640x128xf32, #tpu.memory_space<hbm>>) dst(%dma_wait3A_11 : memref<640x128xf32, #tpu.memory_space<vmem_shared>>)
      tpu.yield
    }) : () -> ()
    %barrier3A = arith.constant 0 : index
    tpu.barrier barrier_id(%barrier3A)
    "tpu.region"() ({
      %run_scoped3A = tpu.sem_alloc : memref<!tpu.dma_semaphore, #tpu.memory_space<semaphore_mem>>
      %dma_start3A = arith.constant 0 : i32
      %dma_start3A_10 = arith.constant 0 : i32
      %dma_start3A_11 = tpu.memref_slice %arg3[%arg0, %arg1, %dma_start3A, %dma_start3A_10] : memref<2x16x80x128xi32, #tpu.memory_space<hbm>> -> memref<1x1x80x128xi32, #tpu.memory_space<hbm>>
      %dma_start3A_12 = tpu.memref_squeeze %dma_start3A_11 : memref<1x1x80x128xi32, #tpu.memory_space<hbm>> -> memref<80x128xi32, #tpu.memory_space<hbm>>
      %dma_start3A_13 = arith.constant 0 : i32
      %dma_start3A_14 = arith.constant 0 : i32
      %dma_start3A_15 = tpu.memref_slice %arg3[%arg0, %arg1, %dma_start3A_13, %dma_start3A_14] : memref<2x16x80x128xi32, #tpu.memory_space<hbm>> -> memref<1x1x80x128xi32, #tpu.memory_space<hbm>>
      %dma_start3A_16 = tpu.memref_squeeze %dma_start3A_15 : memref<1x1x80x128xi32, #tpu.memory_space<hbm>> -> memref<80x128xi32, #tpu.memory_space<hbm>>
      tpu.enqueue_dma source(%dma_start3A_16 : memref<80x128xi32, #tpu.memory_space<hbm>>) target(%arg7 : memref<80x128xi32, #tpu.memory_space<vmem>>) target_semaphore(%run_scoped3A : memref<!tpu.dma_semaphore, #tpu.memory_space<semaphore_mem>>)
      %dma_wait3A = arith.constant 0 : i32
      %dma_wait3A_17 = arith.constant 0 : i32
      %dma_wait3A_18 = tpu.memref_slice %arg3[%arg0, %arg1, %dma_wait3A, %dma_wait3A_17] : memref<2x16x80x128xi32, #tpu.memory_space<hbm>> -> memref<1x1x80x128xi32, #tpu.memory_space<hbm>>
      %dma_wait3A_19 = tpu.memref_squeeze %dma_wait3A_18 : memref<1x1x80x128xi32, #tpu.memory_space<hbm>> -> memref<80x128xi32, #tpu.memory_space<hbm>>
      %dma_wait3A_20 = arith.constant 0 : i32
      %dma_wait3A_21 = arith.constant 0 : i32
      %dma_wait3A_22 = tpu.memref_slice %arg3[%arg0, %arg1, %dma_wait3A_20, %dma_wait3A_21] : memref<2x16x80x128xi32, #tpu.memory_space<hbm>> -> memref<1x1x80x128xi32, #tpu.memory_space<hbm>>
      %dma_wait3A_23 = tpu.memref_squeeze %dma_wait3A_22 : memref<1x1x80x128xi32, #tpu.memory_space<hbm>> -> memref<80x128xi32, #tpu.memory_space<hbm>>
      tpu.wait_dma2 semaphore(%run_scoped3A : memref<!tpu.dma_semaphore, #tpu.memory_space<semaphore_mem>>) src(%dma_wait3A_23 : memref<80x128xi32, #tpu.memory_space<hbm>>) dst(%arg7 : memref<80x128xi32, #tpu.memory_space<vmem>>)
      tpu.yield
    }) : () -> ()
    "tpu.region"() ({
      %run_scoped3A = tpu.sem_alloc : memref<!tpu.dma_semaphore, #tpu.memory_space<semaphore_mem>>
      %dma_start3A = arith.constant 0 : i32
      %dma_start3A_10 = arith.constant 0 : i32
      %dma_start3A_11 = tpu.memref_slice %arg4[%arg1, %dma_start3A, %dma_start3A_10] : memref<16x80x128xi32, #tpu.memory_space<hbm>> -> memref<1x80x128xi32, #tpu.memory_space<hbm>>
      %dma_start3A_12 = tpu.memref_squeeze %dma_start3A_11 : memref<1x80x128xi32, #tpu.memory_space<hbm>> -> memref<80x128xi32, #tpu.memory_space<hbm>>
      %dma_start3A_13 = arith.constant 0 : i32
      %dma_start3A_14 = arith.constant 0 : i32
      %dma_start3A_15 = tpu.memref_slice %arg4[%arg1, %dma_start3A_13, %dma_start3A_14] : memref<16x80x128xi32, #tpu.memory_space<hbm>> -> memref<1x80x128xi32, #tpu.memory_space<hbm>>
      %dma_start3A_16 = tpu.memref_squeeze %dma_start3A_15 : memref<1x80x128xi32, #tpu.memory_space<hbm>> -> memref<80x128xi32, #tpu.memory_space<hbm>>
      tpu.enqueue_dma source(%dma_start3A_16 : memref<80x128xi32, #tpu.memory_space<hbm>>) target(%arg8 : memref<80x128xi32, #tpu.memory_space<vmem>>) target_semaphore(%run_scoped3A : memref<!tpu.dma_semaphore, #tpu.memory_space<semaphore_mem>>)
      %dma_wait3A = arith.constant 0 : i32
      %dma_wait3A_17 = arith.constant 0 : i32
      %dma_wait3A_18 = tpu.memref_slice %arg4[%arg1, %dma_wait3A, %dma_wait3A_17] : memref<16x80x128xi32, #tpu.memory_space<hbm>> -> memref<1x80x128xi32, #tpu.memory_space<hbm>>
      %dma_wait3A_19 = tpu.memref_squeeze %dma_wait3A_18 : memref<1x80x128xi32, #tpu.memory_space<hbm>> -> memref<80x128xi32, #tpu.memory_space<hbm>>
      %dma_wait3A_20 = arith.constant 0 : i32
      %dma_wait3A_21 = arith.constant 0 : i32
      %dma_wait3A_22 = tpu.memref_slice %arg4[%arg1, %dma_wait3A_20, %dma_wait3A_21] : memref<16x80x128xi32, #tpu.memory_space<hbm>> -> memref<1x80x128xi32, #tpu.memory_space<hbm>>
      %dma_wait3A_23 = tpu.memref_squeeze %dma_wait3A_22 : memref<1x80x128xi32, #tpu.memory_space<hbm>> -> memref<80x128xi32, #tpu.memory_space<hbm>>
      tpu.wait_dma2 semaphore(%run_scoped3A : memref<!tpu.dma_semaphore, #tpu.memory_space<semaphore_mem>>) src(%dma_wait3A_23 : memref<80x128xi32, #tpu.memory_space<hbm>>) dst(%arg8 : memref<80x128xi32, #tpu.memory_space<vmem>>)
      tpu.yield
    }) : () -> ()
    %scan3A = arith.constant 0 : i32
    %scan3A_1 = arith.constant 80 : i32
    %scan3A_2 = arith.addi %scan3A, %scan3A_1 : i32
    %scan3A_3 = arith.constant 1 : i32
    scf.for %scan3A_10 = %scan3A to %scan3A_2 step %scan3A_3  : i32 {
      %mul3A_11 = arith.constant 1 : i32
      %mul3A_12 = arith.muli %scan3A_10, %mul3A_11 : i32
      %add3A = arith.constant 0 : i32
      %add3A_13 = arith.addi %add3A, %mul3A_12 : i32
      "tpu.region"() ({
        %run_scoped3A = tpu.sem_alloc : memref<!tpu.dma_semaphore, #tpu.memory_space<semaphore_mem>>
        %dma_start3A = arith.constant 0 : i32
        %dma_start3A_14 = tpu.memref_slice %arg7[%add3A_13, %dma_start3A] : memref<80x128xi32, #tpu.memory_space<vmem>> -> memref<1x128xi32, #tpu.memory_space<vmem>>
        %dma_start3A_15 = tpu.memref_squeeze %dma_start3A_14 : memref<1x128xi32, #tpu.memory_space<vmem>> -> memref<128xi32, #tpu.memory_space<vmem>>
        %dma_start3A_16 = arith.constant 0 : i32
        %dma_start3A_17 = arith.constant 0 : i32
        %dma_start3A_18 = tpu.memref_slice %arg2[%dma_start3A_16, %dma_start3A_17] : memref<20000x128xf32, #tpu.memory_space<hbm>> -> memref<20000x128xf32, #tpu.memory_space<hbm>>
        tpu.enqueue_indirect_dma source(%dma_start3A_18 : memref<20000x128xf32, #tpu.memory_space<hbm>>) target(%arg9 : memref<128x128xf32, #tpu.memory_space<vmem>>) offsets(%dma_start3A_15 : memref<128xi32, #tpu.memory_space<vmem>>) semaphore(%run_scoped3A : memref<!tpu.dma_semaphore, #tpu.memory_space<semaphore_mem>>)
        %dma_wait3A = arith.constant 0 : i32
        %dma_wait3A_19 = tpu.memref_slice %arg7[%add3A_13, %dma_wait3A] : memref<80x128xi32, #tpu.memory_space<vmem>> -> memref<1x128xi32, #tpu.memory_space<vmem>>
        %dma_wait3A_20 = tpu.memref_squeeze %dma_wait3A_19 : memref<1x128xi32, #tpu.memory_space<vmem>> -> memref<128xi32, #tpu.memory_space<vmem>>
        %dma_wait3A_21 = arith.constant 0 : i32
        %dma_wait3A_22 = arith.constant 0 : i32
        %dma_wait3A_23 = tpu.memref_slice %arg2[%dma_wait3A_21, %dma_wait3A_22] : memref<20000x128xf32, #tpu.memory_space<hbm>> -> memref<20000x128xf32, #tpu.memory_space<hbm>>
        tpu.wait_indirect_dma semaphore(%run_scoped3A : memref<!tpu.dma_semaphore, #tpu.memory_space<semaphore_mem>>) src(%dma_wait3A_23 : memref<20000x128xf32, #tpu.memory_space<hbm>>) dst(%arg9 : memref<128x128xf32, #tpu.memory_space<vmem>>)
        tpu.yield
      }) : () -> ()
      "tpu.region"() ({
        %run_scoped3A = tpu.sem_alloc : memref<!tpu.dma_semaphore, #tpu.memory_space<semaphore_mem>>
        %dma_start3A = arith.constant 0 : i32
        %dma_start3A_14 = tpu.memref_slice %arg8[%add3A_13, %dma_start3A] : memref<80x128xi32, #tpu.memory_space<vmem>> -> memref<1x128xi32, #tpu.memory_space<vmem>>
        %dma_start3A_15 = tpu.memref_squeeze %dma_start3A_14 : memref<1x128xi32, #tpu.memory_space<vmem>> -> memref<128xi32, #tpu.memory_space<vmem>>
        %dma_start3A_16 = arith.constant 0 : i32
        %dma_start3A_17 = arith.constant 0 : i32
        %dma_start3A_18 = tpu.memref_slice %arg10[%dma_start3A_16, %dma_start3A_17] : memref<10240x128xf32, #tpu.memory_space<vmem_shared>> -> memref<10240x128xf32, #tpu.memory_space<vmem_shared>>
        tpu.enqueue_indirect_dma source(%arg9 : memref<128x128xf32, #tpu.memory_space<vmem>>) target(%dma_start3A_18 : memref<10240x128xf32, #tpu.memory_space<vmem_shared>>) offsets(%dma_start3A_15 : memref<128xi32, #tpu.memory_space<vmem>>) semaphore(%run_scoped3A : memref<!tpu.dma_semaphore, #tpu.memory_space<semaphore_mem>>) {add = true}
        %dma_wait3A = arith.constant 0 : i32
        %dma_wait3A_19 = tpu.memref_slice %arg8[%add3A_13, %dma_wait3A] : memref<80x128xi32, #tpu.memory_space<vmem>> -> memref<1x128xi32, #tpu.memory_space<vmem>>
        %dma_wait3A_20 = tpu.memref_squeeze %dma_wait3A_19 : memref<1x128xi32, #tpu.memory_space<vmem>> -> memref<128xi32, #tpu.memory_space<vmem>>
        %dma_wait3A_21 = arith.constant 0 : i32
        %dma_wait3A_22 = arith.constant 0 : i32
        %dma_wait3A_23 = tpu.memref_slice %arg10[%dma_wait3A_21, %dma_wait3A_22] : memref<10240x128xf32, #tpu.memory_space<vmem_shared>> -> memref<10240x128xf32, #tpu.memory_space<vmem_shared>>
        tpu.wait_indirect_dma semaphore(%run_scoped3A : memref<!tpu.dma_semaphore, #tpu.memory_space<semaphore_mem>>) src(%arg9 : memref<128x128xf32, #tpu.memory_space<vmem>>) dst(%dma_wait3A_23 : memref<10240x128xf32, #tpu.memory_space<vmem_shared>>)
        tpu.yield
      }) : () -> ()
    }
    %scan3A_4 = arith.constant 80 : i32
    %barrier3A_5 = arith.constant 0 : index
    tpu.barrier barrier_id(%barrier3A_5)
    %mul3A_6 = arith.constant 640 : i32
    %mul3A_7 = arith.muli %arg1, %mul3A_6 : i32
    %mul3A_8 = arith.constant 640 : i32
    %mul3A_9 = arith.muli %arg1, %mul3A_8 : i32
    "tpu.region"() ({
      %run_scoped3A = tpu.sem_alloc : memref<!tpu.dma_semaphore, #tpu.memory_space<semaphore_mem>>
      %dma_start3A = arith.constant 0 : i32
      %dma_start3A_10 = tpu.memref_slice %arg6[%arg0, %mul3A_9, %dma_start3A] : memref<2x10240x128xf32, #tpu.memory_space<hbm>> -> memref<1x640x128xf32, #tpu.memory_space<hbm>>
      %dma_start3A_11 = tpu.memref_squeeze %dma_start3A_10 : memref<1x640x128xf32, #tpu.memory_space<hbm>> -> memref<640x128xf32, #tpu.memory_space<hbm>>
      %dma_start3A_12 = arith.constant 0 : i32
      %dma_start3A_13 = tpu.memref_slice %arg10[%mul3A_7, %dma_start3A_12] : memref<10240x128xf32, #tpu.memory_space<vmem_shared>> -> memref<640x128xf32, #tpu.memory_space<vmem_shared>>
      tpu.enqueue_dma source(%dma_start3A_13 : memref<640x128xf32, #tpu.memory_space<vmem_shared>>) target(%dma_start3A_11 : memref<640x128xf32, #tpu.memory_space<hbm>>) target_semaphore(%run_scoped3A : memref<!tpu.dma_semaphore, #tpu.memory_space<semaphore_mem>>)
      %dma_wait3A = arith.constant 0 : i32
      %dma_wait3A_14 = tpu.memref_slice %arg6[%arg0, %mul3A_9, %dma_wait3A] : memref<2x10240x128xf32, #tpu.memory_space<hbm>> -> memref<1x640x128xf32, #tpu.memory_space<hbm>>
      %dma_wait3A_15 = tpu.memref_squeeze %dma_wait3A_14 : memref<1x640x128xf32, #tpu.memory_space<hbm>> -> memref<640x128xf32, #tpu.memory_space<hbm>>
      %dma_wait3A_16 = arith.constant 0 : i32
      %dma_wait3A_17 = tpu.memref_slice %arg10[%mul3A_7, %dma_wait3A_16] : memref<10240x128xf32, #tpu.memory_space<vmem_shared>> -> memref<640x128xf32, #tpu.memory_space<vmem_shared>>
      tpu.wait_dma2 semaphore(%run_scoped3A : memref<!tpu.dma_semaphore, #tpu.memory_space<semaphore_mem>>) src(%dma_wait3A_17 : memref<640x128xf32, #tpu.memory_space<vmem_shared>>) dst(%dma_wait3A_15 : memref<640x128xf32, #tpu.memory_space<hbm>>)
      tpu.yield
    }) : () -> ()
    return
  }
}

#map = affine_map<(d0, d1) -> (0)>
#map1 = affine_map<(d0, d1) -> (0, 0)>
#map2 = affine_map<(d0, d1) -> (0, 0, 0)>
module attributes {stable_mosaic.version = 14 : i64} {
  func.func @_sc_degree(%arg0: i32, %arg1: i32, %arg2: memref<163840xi32, #tpu.memory_space<hbm>>, %arg3: memref<64x16xf32, #tpu.memory_space<hbm>>, %arg4: memref<640x16xf32, #tpu.memory_space<hbm>>, %arg5: memref<2x10240x16xf32, #tpu.memory_space<hbm>>, %arg6: memref<64xi32, #tpu.memory_space<vmem>>, %arg7: memref<64x16xf32, #tpu.memory_space<vmem>>, %arg8: memref<10240x16xf32, #tpu.memory_space<vmem_shared>>) attributes {dimension_semantics = [#tpu.dimension_semantics<core_parallel>, #tpu.dimension_semantics<subcore_parallel>], iteration_bounds = array<i64: 2, 16>, scalar_prefetch = 0 : i64, scratch_operands = 3 : i64, tpu.core_type = #tpu.core_type<sc_vector_subcore>, window_params = [{transform_indices = #map}, {transform_indices = #map1}, {transform_indices = #map1}, {transform_indices = #map2}]} {
    %mul3A = arith.constant 640 : i32
    %mul3A_0 = arith.muli %arg1, %mul3A : i32
    "tpu.region"() ({
      %run_scoped3A = tpu.sem_alloc : memref<!tpu.dma_semaphore, #tpu.memory_space<semaphore_mem>>
      %dma_start3A = arith.constant 0 : i32
      %dma_start3A_14 = tpu.memref_slice %arg8[%mul3A_0, %dma_start3A] : memref<10240x16xf32, #tpu.memory_space<vmem_shared>> -> memref<640x16xf32, #tpu.memory_space<vmem_shared>>
      tpu.enqueue_dma source(%arg4 : memref<640x16xf32, #tpu.memory_space<hbm>>) target(%dma_start3A_14 : memref<640x16xf32, #tpu.memory_space<vmem_shared>>) target_semaphore(%run_scoped3A : memref<!tpu.dma_semaphore, #tpu.memory_space<semaphore_mem>>)
      %dma_wait3A = arith.constant 0 : i32
      %dma_wait3A_15 = tpu.memref_slice %arg8[%mul3A_0, %dma_wait3A] : memref<10240x16xf32, #tpu.memory_space<vmem_shared>> -> memref<640x16xf32, #tpu.memory_space<vmem_shared>>
      tpu.wait_dma2 semaphore(%run_scoped3A : memref<!tpu.dma_semaphore, #tpu.memory_space<semaphore_mem>>) src(%arg4 : memref<640x16xf32, #tpu.memory_space<hbm>>) dst(%dma_wait3A_15 : memref<640x16xf32, #tpu.memory_space<vmem_shared>>)
      tpu.yield
    }) : () -> ()
    "tpu.region"() ({
      %run_scoped3A = tpu.sem_alloc : memref<!tpu.dma_semaphore, #tpu.memory_space<semaphore_mem>>
      tpu.enqueue_dma source(%arg3 : memref<64x16xf32, #tpu.memory_space<hbm>>) target(%arg7 : memref<64x16xf32, #tpu.memory_space<vmem>>) target_semaphore(%run_scoped3A : memref<!tpu.dma_semaphore, #tpu.memory_space<semaphore_mem>>)
      tpu.wait_dma2 semaphore(%run_scoped3A : memref<!tpu.dma_semaphore, #tpu.memory_space<semaphore_mem>>) src(%arg3 : memref<64x16xf32, #tpu.memory_space<hbm>>) dst(%arg7 : memref<64x16xf32, #tpu.memory_space<vmem>>)
      tpu.yield
    }) : () -> ()
    %barrier3A = arith.constant 0 : index
    tpu.barrier barrier_id(%barrier3A)
    %mul3A_1 = arith.constant 16 : i32
    %mul3A_2 = arith.muli %arg0, %mul3A_1 : i32
    %add3A = arith.addi %mul3A_2, %arg1 : i32
    %mul3A_3 = arith.constant 5120 : i32
    %mul3A_4 = arith.muli %add3A, %mul3A_3 : i32
    %scan3A = arith.constant 0 : i32
    %scan3A_5 = arith.constant 80 : i32
    %scan3A_6 = arith.addi %scan3A, %scan3A_5 : i32
    %scan3A_7 = arith.constant 1 : i32
    scf.for %scan3A_14 = %scan3A to %scan3A_6 step %scan3A_7  : i32 {
      %mul3A_15 = arith.constant 1 : i32
      %mul3A_16 = arith.muli %scan3A_14, %mul3A_15 : i32
      %add3A_17 = arith.constant 0 : i32
      %add3A_18 = arith.addi %add3A_17, %mul3A_16 : i32
      %mul3A_19 = arith.constant 64 : i32
      %mul3A_20 = arith.muli %add3A_18, %mul3A_19 : i32
      %add3A_21 = arith.addi %mul3A_4, %mul3A_20 : i32
      "tpu.region"() ({
        %run_scoped3A = tpu.sem_alloc : memref<!tpu.dma_semaphore, #tpu.memory_space<semaphore_mem>>
        %dma_start3A = tpu.memref_slice %arg2[%add3A_21] : memref<163840xi32, #tpu.memory_space<hbm>> -> memref<64xi32, #tpu.memory_space<hbm>>
        %dma_start3A_22 = tpu.memref_slice %arg2[%add3A_21] : memref<163840xi32, #tpu.memory_space<hbm>> -> memref<64xi32, #tpu.memory_space<hbm>>
        tpu.enqueue_dma source(%dma_start3A_22 : memref<64xi32, #tpu.memory_space<hbm>>) target(%arg6 : memref<64xi32, #tpu.memory_space<vmem>>) target_semaphore(%run_scoped3A : memref<!tpu.dma_semaphore, #tpu.memory_space<semaphore_mem>>)
        %dma_wait3A = tpu.memref_slice %arg2[%add3A_21] : memref<163840xi32, #tpu.memory_space<hbm>> -> memref<64xi32, #tpu.memory_space<hbm>>
        %dma_wait3A_23 = tpu.memref_slice %arg2[%add3A_21] : memref<163840xi32, #tpu.memory_space<hbm>> -> memref<64xi32, #tpu.memory_space<hbm>>
        tpu.wait_dma2 semaphore(%run_scoped3A : memref<!tpu.dma_semaphore, #tpu.memory_space<semaphore_mem>>) src(%dma_wait3A_23 : memref<64xi32, #tpu.memory_space<hbm>>) dst(%arg6 : memref<64xi32, #tpu.memory_space<vmem>>)
        tpu.yield
      }) : () -> ()
      "tpu.region"() ({
        %run_scoped3A = tpu.sem_alloc : memref<!tpu.dma_semaphore, #tpu.memory_space<semaphore_mem>>
        %dma_start3A = arith.constant 0 : i32
        %dma_start3A_22 = arith.constant 0 : i32
        %dma_start3A_23 = tpu.memref_slice %arg8[%dma_start3A, %dma_start3A_22] : memref<10240x16xf32, #tpu.memory_space<vmem_shared>> -> memref<10240x16xf32, #tpu.memory_space<vmem_shared>>
        tpu.enqueue_indirect_dma source(%arg7 : memref<64x16xf32, #tpu.memory_space<vmem>>) target(%dma_start3A_23 : memref<10240x16xf32, #tpu.memory_space<vmem_shared>>) offsets(%arg6 : memref<64xi32, #tpu.memory_space<vmem>>) semaphore(%run_scoped3A : memref<!tpu.dma_semaphore, #tpu.memory_space<semaphore_mem>>) {add = true}
        %dma_wait3A = arith.constant 0 : i32
        %dma_wait3A_24 = arith.constant 0 : i32
        %dma_wait3A_25 = tpu.memref_slice %arg8[%dma_wait3A, %dma_wait3A_24] : memref<10240x16xf32, #tpu.memory_space<vmem_shared>> -> memref<10240x16xf32, #tpu.memory_space<vmem_shared>>
        tpu.wait_indirect_dma semaphore(%run_scoped3A : memref<!tpu.dma_semaphore, #tpu.memory_space<semaphore_mem>>) src(%arg7 : memref<64x16xf32, #tpu.memory_space<vmem>>) dst(%dma_wait3A_25 : memref<10240x16xf32, #tpu.memory_space<vmem_shared>>)
        tpu.yield
      }) : () -> ()
    }
    %scan3A_8 = arith.constant 80 : i32
    %barrier3A_9 = arith.constant 0 : index
    tpu.barrier barrier_id(%barrier3A_9)
    %mul3A_10 = arith.constant 640 : i32
    %mul3A_11 = arith.muli %arg1, %mul3A_10 : i32
    %mul3A_12 = arith.constant 640 : i32
    %mul3A_13 = arith.muli %arg1, %mul3A_12 : i32
    "tpu.region"() ({
      %run_scoped3A = tpu.sem_alloc : memref<!tpu.dma_semaphore, #tpu.memory_space<semaphore_mem>>
      %dma_start3A = arith.constant 0 : i32
      %dma_start3A_14 = tpu.memref_slice %arg5[%arg0, %mul3A_13, %dma_start3A] : memref<2x10240x16xf32, #tpu.memory_space<hbm>> -> memref<1x640x16xf32, #tpu.memory_space<hbm>>
      %dma_start3A_15 = tpu.memref_squeeze %dma_start3A_14 : memref<1x640x16xf32, #tpu.memory_space<hbm>> -> memref<640x16xf32, #tpu.memory_space<hbm>>
      %dma_start3A_16 = arith.constant 0 : i32
      %dma_start3A_17 = tpu.memref_slice %arg8[%mul3A_11, %dma_start3A_16] : memref<10240x16xf32, #tpu.memory_space<vmem_shared>> -> memref<640x16xf32, #tpu.memory_space<vmem_shared>>
      tpu.enqueue_dma source(%dma_start3A_17 : memref<640x16xf32, #tpu.memory_space<vmem_shared>>) target(%dma_start3A_15 : memref<640x16xf32, #tpu.memory_space<hbm>>) target_semaphore(%run_scoped3A : memref<!tpu.dma_semaphore, #tpu.memory_space<semaphore_mem>>)
      %dma_wait3A = arith.constant 0 : i32
      %dma_wait3A_18 = tpu.memref_slice %arg5[%arg0, %mul3A_13, %dma_wait3A] : memref<2x10240x16xf32, #tpu.memory_space<hbm>> -> memref<1x640x16xf32, #tpu.memory_space<hbm>>
      %dma_wait3A_19 = tpu.memref_squeeze %dma_wait3A_18 : memref<1x640x16xf32, #tpu.memory_space<hbm>> -> memref<640x16xf32, #tpu.memory_space<hbm>>
      %dma_wait3A_20 = arith.constant 0 : i32
      %dma_wait3A_21 = tpu.memref_slice %arg8[%mul3A_11, %dma_wait3A_20] : memref<10240x16xf32, #tpu.memory_space<vmem_shared>> -> memref<640x16xf32, #tpu.memory_space<vmem_shared>>
      tpu.wait_dma2 semaphore(%run_scoped3A : memref<!tpu.dma_semaphore, #tpu.memory_space<semaphore_mem>>) src(%dma_wait3A_21 : memref<640x16xf32, #tpu.memory_space<vmem_shared>>) dst(%dma_wait3A_19 : memref<640x16xf32, #tpu.memory_space<hbm>>)
      tpu.yield
    }) : () -> ()
    return
  }
}

#map = affine_map<(d0, d1) -> (0, 0)>
#map1 = affine_map<(d0, d1) -> (0, 0, 0, 0)>
#map2 = affine_map<(d0, d1) -> (0, 0, 0)>
module attributes {stable_mosaic.version = 14 : i64} {
  func.func @_sc_aggregate(%arg0: i32, %arg1: i32, %arg2: memref<20000x128xf32, #tpu.memory_space<hbm>>, %arg3: memref<2x16x80x128xi32, #tpu.memory_space<hbm>>, %arg4: memref<16x80x128xi32, #tpu.memory_space<hbm>>, %arg5: memref<640x128xf32, #tpu.memory_space<hbm>>, %arg6: memref<2x10240x128xf32, #tpu.memory_space<hbm>>, %arg7: memref<80x128xi32, #tpu.memory_space<vmem>>, %arg8: memref<80x128xi32, #tpu.memory_space<vmem>>, %arg9: memref<128x128xf32, #tpu.memory_space<vmem>>, %arg10: memref<10240x128xf32, #tpu.memory_space<vmem_shared>>) attributes {dimension_semantics = [#tpu.dimension_semantics<core_parallel>, #tpu.dimension_semantics<subcore_parallel>], iteration_bounds = array<i64: 2, 16>, scalar_prefetch = 0 : i64, scratch_operands = 4 : i64, tpu.core_type = #tpu.core_type<sc_vector_subcore>, window_params = [{transform_indices = #map}, {transform_indices = #map1}, {transform_indices = #map2}, {transform_indices = #map}, {transform_indices = #map2}]} {
    %mul3A = arith.constant 640 : i32
    %mul3A_0 = arith.muli %arg1, %mul3A : i32
    "tpu.region"() ({
      %run_scoped3A = tpu.sem_alloc : memref<!tpu.dma_semaphore, #tpu.memory_space<semaphore_mem>>
      %dma_start3A = arith.constant 0 : i32
      %dma_start3A_10 = tpu.memref_slice %arg10[%mul3A_0, %dma_start3A] : memref<10240x128xf32, #tpu.memory_space<vmem_shared>> -> memref<640x128xf32, #tpu.memory_space<vmem_shared>>
      tpu.enqueue_dma source(%arg5 : memref<640x128xf32, #tpu.memory_space<hbm>>) target(%dma_start3A_10 : memref<640x128xf32, #tpu.memory_space<vmem_shared>>) target_semaphore(%run_scoped3A : memref<!tpu.dma_semaphore, #tpu.memory_space<semaphore_mem>>)
      %dma_wait3A = arith.constant 0 : i32
      %dma_wait3A_11 = tpu.memref_slice %arg10[%mul3A_0, %dma_wait3A] : memref<10240x128xf32, #tpu.memory_space<vmem_shared>> -> memref<640x128xf32, #tpu.memory_space<vmem_shared>>
      tpu.wait_dma2 semaphore(%run_scoped3A : memref<!tpu.dma_semaphore, #tpu.memory_space<semaphore_mem>>) src(%arg5 : memref<640x128xf32, #tpu.memory_space<hbm>>) dst(%dma_wait3A_11 : memref<640x128xf32, #tpu.memory_space<vmem_shared>>)
      tpu.yield
    }) : () -> ()
    %barrier3A = arith.constant 0 : index
    tpu.barrier barrier_id(%barrier3A)
    "tpu.region"() ({
      %run_scoped3A = tpu.sem_alloc : memref<!tpu.dma_semaphore, #tpu.memory_space<semaphore_mem>>
      %dma_start3A = arith.constant 0 : i32
      %dma_start3A_10 = arith.constant 0 : i32
      %dma_start3A_11 = tpu.memref_slice %arg3[%arg0, %arg1, %dma_start3A, %dma_start3A_10] : memref<2x16x80x128xi32, #tpu.memory_space<hbm>> -> memref<1x1x80x128xi32, #tpu.memory_space<hbm>>
      %dma_start3A_12 = tpu.memref_squeeze %dma_start3A_11 : memref<1x1x80x128xi32, #tpu.memory_space<hbm>> -> memref<80x128xi32, #tpu.memory_space<hbm>>
      %dma_start3A_13 = arith.constant 0 : i32
      %dma_start3A_14 = arith.constant 0 : i32
      %dma_start3A_15 = tpu.memref_slice %arg3[%arg0, %arg1, %dma_start3A_13, %dma_start3A_14] : memref<2x16x80x128xi32, #tpu.memory_space<hbm>> -> memref<1x1x80x128xi32, #tpu.memory_space<hbm>>
      %dma_start3A_16 = tpu.memref_squeeze %dma_start3A_15 : memref<1x1x80x128xi32, #tpu.memory_space<hbm>> -> memref<80x128xi32, #tpu.memory_space<hbm>>
      tpu.enqueue_dma source(%dma_start3A_16 : memref<80x128xi32, #tpu.memory_space<hbm>>) target(%arg7 : memref<80x128xi32, #tpu.memory_space<vmem>>) target_semaphore(%run_scoped3A : memref<!tpu.dma_semaphore, #tpu.memory_space<semaphore_mem>>)
      %dma_wait3A = arith.constant 0 : i32
      %dma_wait3A_17 = arith.constant 0 : i32
      %dma_wait3A_18 = tpu.memref_slice %arg3[%arg0, %arg1, %dma_wait3A, %dma_wait3A_17] : memref<2x16x80x128xi32, #tpu.memory_space<hbm>> -> memref<1x1x80x128xi32, #tpu.memory_space<hbm>>
      %dma_wait3A_19 = tpu.memref_squeeze %dma_wait3A_18 : memref<1x1x80x128xi32, #tpu.memory_space<hbm>> -> memref<80x128xi32, #tpu.memory_space<hbm>>
      %dma_wait3A_20 = arith.constant 0 : i32
      %dma_wait3A_21 = arith.constant 0 : i32
      %dma_wait3A_22 = tpu.memref_slice %arg3[%arg0, %arg1, %dma_wait3A_20, %dma_wait3A_21] : memref<2x16x80x128xi32, #tpu.memory_space<hbm>> -> memref<1x1x80x128xi32, #tpu.memory_space<hbm>>
      %dma_wait3A_23 = tpu.memref_squeeze %dma_wait3A_22 : memref<1x1x80x128xi32, #tpu.memory_space<hbm>> -> memref<80x128xi32, #tpu.memory_space<hbm>>
      tpu.wait_dma2 semaphore(%run_scoped3A : memref<!tpu.dma_semaphore, #tpu.memory_space<semaphore_mem>>) src(%dma_wait3A_23 : memref<80x128xi32, #tpu.memory_space<hbm>>) dst(%arg7 : memref<80x128xi32, #tpu.memory_space<vmem>>)
      tpu.yield
    }) : () -> ()
    "tpu.region"() ({
      %run_scoped3A = tpu.sem_alloc : memref<!tpu.dma_semaphore, #tpu.memory_space<semaphore_mem>>
      %dma_start3A = arith.constant 0 : i32
      %dma_start3A_10 = arith.constant 0 : i32
      %dma_start3A_11 = tpu.memref_slice %arg4[%arg1, %dma_start3A, %dma_start3A_10] : memref<16x80x128xi32, #tpu.memory_space<hbm>> -> memref<1x80x128xi32, #tpu.memory_space<hbm>>
      %dma_start3A_12 = tpu.memref_squeeze %dma_start3A_11 : memref<1x80x128xi32, #tpu.memory_space<hbm>> -> memref<80x128xi32, #tpu.memory_space<hbm>>
      %dma_start3A_13 = arith.constant 0 : i32
      %dma_start3A_14 = arith.constant 0 : i32
      %dma_start3A_15 = tpu.memref_slice %arg4[%arg1, %dma_start3A_13, %dma_start3A_14] : memref<16x80x128xi32, #tpu.memory_space<hbm>> -> memref<1x80x128xi32, #tpu.memory_space<hbm>>
      %dma_start3A_16 = tpu.memref_squeeze %dma_start3A_15 : memref<1x80x128xi32, #tpu.memory_space<hbm>> -> memref<80x128xi32, #tpu.memory_space<hbm>>
      tpu.enqueue_dma source(%dma_start3A_16 : memref<80x128xi32, #tpu.memory_space<hbm>>) target(%arg8 : memref<80x128xi32, #tpu.memory_space<vmem>>) target_semaphore(%run_scoped3A : memref<!tpu.dma_semaphore, #tpu.memory_space<semaphore_mem>>)
      %dma_wait3A = arith.constant 0 : i32
      %dma_wait3A_17 = arith.constant 0 : i32
      %dma_wait3A_18 = tpu.memref_slice %arg4[%arg1, %dma_wait3A, %dma_wait3A_17] : memref<16x80x128xi32, #tpu.memory_space<hbm>> -> memref<1x80x128xi32, #tpu.memory_space<hbm>>
      %dma_wait3A_19 = tpu.memref_squeeze %dma_wait3A_18 : memref<1x80x128xi32, #tpu.memory_space<hbm>> -> memref<80x128xi32, #tpu.memory_space<hbm>>
      %dma_wait3A_20 = arith.constant 0 : i32
      %dma_wait3A_21 = arith.constant 0 : i32
      %dma_wait3A_22 = tpu.memref_slice %arg4[%arg1, %dma_wait3A_20, %dma_wait3A_21] : memref<16x80x128xi32, #tpu.memory_space<hbm>> -> memref<1x80x128xi32, #tpu.memory_space<hbm>>
      %dma_wait3A_23 = tpu.memref_squeeze %dma_wait3A_22 : memref<1x80x128xi32, #tpu.memory_space<hbm>> -> memref<80x128xi32, #tpu.memory_space<hbm>>
      tpu.wait_dma2 semaphore(%run_scoped3A : memref<!tpu.dma_semaphore, #tpu.memory_space<semaphore_mem>>) src(%dma_wait3A_23 : memref<80x128xi32, #tpu.memory_space<hbm>>) dst(%arg8 : memref<80x128xi32, #tpu.memory_space<vmem>>)
      tpu.yield
    }) : () -> ()
    %scan3A = arith.constant 0 : i32
    %scan3A_1 = arith.constant 80 : i32
    %scan3A_2 = arith.addi %scan3A, %scan3A_1 : i32
    %scan3A_3 = arith.constant 1 : i32
    scf.for %scan3A_10 = %scan3A to %scan3A_2 step %scan3A_3  : i32 {
      %mul3A_11 = arith.constant 1 : i32
      %mul3A_12 = arith.muli %scan3A_10, %mul3A_11 : i32
      %add3A = arith.constant 0 : i32
      %add3A_13 = arith.addi %add3A, %mul3A_12 : i32
      "tpu.region"() ({
        %run_scoped3A = tpu.sem_alloc : memref<!tpu.dma_semaphore, #tpu.memory_space<semaphore_mem>>
        %dma_start3A = arith.constant 0 : i32
        %dma_start3A_14 = tpu.memref_slice %arg7[%add3A_13, %dma_start3A] : memref<80x128xi32, #tpu.memory_space<vmem>> -> memref<1x128xi32, #tpu.memory_space<vmem>>
        %dma_start3A_15 = tpu.memref_squeeze %dma_start3A_14 : memref<1x128xi32, #tpu.memory_space<vmem>> -> memref<128xi32, #tpu.memory_space<vmem>>
        %dma_start3A_16 = arith.constant 0 : i32
        %dma_start3A_17 = arith.constant 0 : i32
        %dma_start3A_18 = tpu.memref_slice %arg2[%dma_start3A_16, %dma_start3A_17] : memref<20000x128xf32, #tpu.memory_space<hbm>> -> memref<20000x128xf32, #tpu.memory_space<hbm>>
        tpu.enqueue_indirect_dma source(%dma_start3A_18 : memref<20000x128xf32, #tpu.memory_space<hbm>>) target(%arg9 : memref<128x128xf32, #tpu.memory_space<vmem>>) offsets(%dma_start3A_15 : memref<128xi32, #tpu.memory_space<vmem>>) semaphore(%run_scoped3A : memref<!tpu.dma_semaphore, #tpu.memory_space<semaphore_mem>>)
        %dma_wait3A = arith.constant 0 : i32
        %dma_wait3A_19 = tpu.memref_slice %arg7[%add3A_13, %dma_wait3A] : memref<80x128xi32, #tpu.memory_space<vmem>> -> memref<1x128xi32, #tpu.memory_space<vmem>>
        %dma_wait3A_20 = tpu.memref_squeeze %dma_wait3A_19 : memref<1x128xi32, #tpu.memory_space<vmem>> -> memref<128xi32, #tpu.memory_space<vmem>>
        %dma_wait3A_21 = arith.constant 0 : i32
        %dma_wait3A_22 = arith.constant 0 : i32
        %dma_wait3A_23 = tpu.memref_slice %arg2[%dma_wait3A_21, %dma_wait3A_22] : memref<20000x128xf32, #tpu.memory_space<hbm>> -> memref<20000x128xf32, #tpu.memory_space<hbm>>
        tpu.wait_indirect_dma semaphore(%run_scoped3A : memref<!tpu.dma_semaphore, #tpu.memory_space<semaphore_mem>>) src(%dma_wait3A_23 : memref<20000x128xf32, #tpu.memory_space<hbm>>) dst(%arg9 : memref<128x128xf32, #tpu.memory_space<vmem>>)
        tpu.yield
      }) : () -> ()
      "tpu.region"() ({
        %run_scoped3A = tpu.sem_alloc : memref<!tpu.dma_semaphore, #tpu.memory_space<semaphore_mem>>
        %dma_start3A = arith.constant 0 : i32
        %dma_start3A_14 = tpu.memref_slice %arg8[%add3A_13, %dma_start3A] : memref<80x128xi32, #tpu.memory_space<vmem>> -> memref<1x128xi32, #tpu.memory_space<vmem>>
        %dma_start3A_15 = tpu.memref_squeeze %dma_start3A_14 : memref<1x128xi32, #tpu.memory_space<vmem>> -> memref<128xi32, #tpu.memory_space<vmem>>
        %dma_start3A_16 = arith.constant 0 : i32
        %dma_start3A_17 = arith.constant 0 : i32
        %dma_start3A_18 = tpu.memref_slice %arg10[%dma_start3A_16, %dma_start3A_17] : memref<10240x128xf32, #tpu.memory_space<vmem_shared>> -> memref<10240x128xf32, #tpu.memory_space<vmem_shared>>
        tpu.enqueue_indirect_dma source(%arg9 : memref<128x128xf32, #tpu.memory_space<vmem>>) target(%dma_start3A_18 : memref<10240x128xf32, #tpu.memory_space<vmem_shared>>) offsets(%dma_start3A_15 : memref<128xi32, #tpu.memory_space<vmem>>) semaphore(%run_scoped3A : memref<!tpu.dma_semaphore, #tpu.memory_space<semaphore_mem>>) {add = true}
        %dma_wait3A = arith.constant 0 : i32
        %dma_wait3A_19 = tpu.memref_slice %arg8[%add3A_13, %dma_wait3A] : memref<80x128xi32, #tpu.memory_space<vmem>> -> memref<1x128xi32, #tpu.memory_space<vmem>>
        %dma_wait3A_20 = tpu.memref_squeeze %dma_wait3A_19 : memref<1x128xi32, #tpu.memory_space<vmem>> -> memref<128xi32, #tpu.memory_space<vmem>>
        %dma_wait3A_21 = arith.constant 0 : i32
        %dma_wait3A_22 = arith.constant 0 : i32
        %dma_wait3A_23 = tpu.memref_slice %arg10[%dma_wait3A_21, %dma_wait3A_22] : memref<10240x128xf32, #tpu.memory_space<vmem_shared>> -> memref<10240x128xf32, #tpu.memory_space<vmem_shared>>
        tpu.wait_indirect_dma semaphore(%run_scoped3A : memref<!tpu.dma_semaphore, #tpu.memory_space<semaphore_mem>>) src(%arg9 : memref<128x128xf32, #tpu.memory_space<vmem>>) dst(%dma_wait3A_23 : memref<10240x128xf32, #tpu.memory_space<vmem_shared>>)
        tpu.yield
      }) : () -> ()
    }
    %scan3A_4 = arith.constant 80 : i32
    %barrier3A_5 = arith.constant 0 : index
    tpu.barrier barrier_id(%barrier3A_5)
    %mul3A_6 = arith.constant 640 : i32
    %mul3A_7 = arith.muli %arg1, %mul3A_6 : i32
    %mul3A_8 = arith.constant 640 : i32
    %mul3A_9 = arith.muli %arg1, %mul3A_8 : i32
    "tpu.region"() ({
      %run_scoped3A = tpu.sem_alloc : memref<!tpu.dma_semaphore, #tpu.memory_space<semaphore_mem>>
      %dma_start3A = arith.constant 0 : i32
      %dma_start3A_10 = tpu.memref_slice %arg6[%arg0, %mul3A_9, %dma_start3A] : memref<2x10240x128xf32, #tpu.memory_space<hbm>> -> memref<1x640x128xf32, #tpu.memory_space<hbm>>
      %dma_start3A_11 = tpu.memref_squeeze %dma_start3A_10 : memref<1x640x128xf32, #tpu.memory_space<hbm>> -> memref<640x128xf32, #tpu.memory_space<hbm>>
      %dma_start3A_12 = arith.constant 0 : i32
      %dma_start3A_13 = tpu.memref_slice %arg10[%mul3A_7, %dma_start3A_12] : memref<10240x128xf32, #tpu.memory_space<vmem_shared>> -> memref<640x128xf32, #tpu.memory_space<vmem_shared>>
      tpu.enqueue_dma source(%dma_start3A_13 : memref<640x128xf32, #tpu.memory_space<vmem_shared>>) target(%dma_start3A_11 : memref<640x128xf32, #tpu.memory_space<hbm>>) target_semaphore(%run_scoped3A : memref<!tpu.dma_semaphore, #tpu.memory_space<semaphore_mem>>)
      %dma_wait3A = arith.constant 0 : i32
      %dma_wait3A_14 = tpu.memref_slice %arg6[%arg0, %mul3A_9, %dma_wait3A] : memref<2x10240x128xf32, #tpu.memory_space<hbm>> -> memref<1x640x128xf32, #tpu.memory_space<hbm>>
      %dma_wait3A_15 = tpu.memref_squeeze %dma_wait3A_14 : memref<1x640x128xf32, #tpu.memory_space<hbm>> -> memref<640x128xf32, #tpu.memory_space<hbm>>
      %dma_wait3A_16 = arith.constant 0 : i32
      %dma_wait3A_17 = tpu.memref_slice %arg10[%mul3A_7, %dma_wait3A_16] : memref<10240x128xf32, #tpu.memory_space<vmem_shared>> -> memref<640x128xf32, #tpu.memory_space<vmem_shared>>
      tpu.wait_dma2 semaphore(%run_scoped3A : memref<!tpu.dma_semaphore, #tpu.memory_space<semaphore_mem>>) src(%dma_wait3A_17 : memref<640x128xf32, #tpu.memory_space<vmem_shared>>) dst(%dma_wait3A_15 : memref<640x128xf32, #tpu.memory_space<hbm>>)
      tpu.yield
    }) : () -> ()
    return
  }
}

module attributes {stable_mosaic.version = 14 : i64} {
  func.func @_fuse_body(%arg0: i32, %arg1: memref<1000x128xf32, #tpu.memory_space<vmem>>, %arg2: memref<1000x256xf32, #tpu.memory_space<vmem>>, %arg3: memref<1000x640xf32, #tpu.memory_space<vmem>>, %arg4: memref<1000x256xf32, #tpu.memory_space<vmem>>, %arg5: memref<1280x256xf32, #tpu.memory_space<vmem>>, %arg6: memref<1x256xf32, #tpu.memory_space<vmem>>, %arg7: memref<1000x256xf32, #tpu.memory_space<vmem>>) attributes {dimension_semantics = [#tpu.dimension_semantics<arbitrary>], iteration_bounds = array<i64: 10>, scalar_prefetch = 0 : i64, scratch_operands = 0 : i64, tpu.core_type = #tpu.core_type<tc>, window_params = [{transform_indices = @transform_0, window_bounds = array<i64: 1000, 128>}, {transform_indices = @transform_1, window_bounds = array<i64: 1000, 256>}, {transform_indices = @transform_2, window_bounds = array<i64: 1000, 640>}, {transform_indices = @transform_3, window_bounds = array<i64: 1000, 256>}, {pipeline_mode = #tpu.pipeline_mode<synchronous>, transform_indices = @transform_4, window_bounds = array<i64: 1280, 256>}, {pipeline_mode = #tpu.pipeline_mode<synchronous>, transform_indices = @transform_5, window_bounds = array<i64: 1, 256>}, {transform_indices = @transform_6, window_bounds = array<i64: 1000, 256>}]} {
    %get3A = arith.constant 0 : index
    %get3A_0 = arith.constant 0 : index
    %get3A_1 = vector.load %arg1[%get3A, %get3A_0] : memref<1000x128xf32, #tpu.memory_space<vmem>>, vector<1000x128xf32>
    %get3A_2 = arith.constant 0 : index
    %get3A_3 = arith.constant 0 : index
    %get3A_4 = vector.load %arg5[%get3A_2, %get3A_3] : memref<1280x256xf32, #tpu.memory_space<vmem>>, vector<128x256xf32>
    %dot_general3A = arith.constant dense<0.000000e+00> : vector<1000x256xf32>
    %dot_general3A_5 = tpu.matmul %get3A_1, %get3A_4, %dot_general3A {dimension_numbers = #tpu.dot_dimension_numbers<[1], [0], [0], [1], [0, 0, 1, 1], [], []>, precision = #tpu.contract_precision<fp32>, transpose_lhs_hint = false} : vector<1000x128xf32>, vector<128x256xf32>, vector<1000x256xf32> -> vector<1000x256xf32>
    %get3A_6 = arith.constant 0 : index
    %get3A_7 = arith.constant 0 : index
    %get3A_8 = vector.load %arg2[%get3A_6, %get3A_7] : memref<1000x256xf32, #tpu.memory_space<vmem>>, vector<1000x256xf32>
    %get3A_9 = arith.constant 128 : index
    %get3A_10 = arith.constant 0 : index
    %get3A_11 = vector.load %arg5[%get3A_9, %get3A_10] : memref<1280x256xf32, #tpu.memory_space<vmem>>, vector<256x256xf32>
    %dot_general3A_12 = arith.constant dense<0.000000e+00> : vector<1000x256xf32>
    %dot_general3A_13 = tpu.matmul %get3A_8, %get3A_11, %dot_general3A_12 {dimension_numbers = #tpu.dot_dimension_numbers<[1], [0], [0], [1], [0, 0, 1, 1], [], []>, precision = #tpu.contract_precision<fp32>, transpose_lhs_hint = false} : vector<1000x256xf32>, vector<256x256xf32>, vector<1000x256xf32> -> vector<1000x256xf32>
    %add3A = arith.addf %dot_general3A_5, %dot_general3A_13 : vector<1000x256xf32>
    %get3A_14 = arith.constant 0 : index
    %get3A_15 = arith.constant 0 : index
    %get3A_16 = vector.load %arg3[%get3A_14, %get3A_15] : memref<1000x640xf32, #tpu.memory_space<vmem>>, vector<1000x640xf32>
    %get3A_17 = arith.constant 384 : index
    %get3A_18 = arith.constant 0 : index
    %get3A_19 = vector.load %arg5[%get3A_17, %get3A_18] : memref<1280x256xf32, #tpu.memory_space<vmem>>, vector<640x256xf32>
    %dot_general3A_20 = arith.constant dense<0.000000e+00> : vector<1000x256xf32>
    %dot_general3A_21 = tpu.matmul %get3A_16, %get3A_19, %dot_general3A_20 {dimension_numbers = #tpu.dot_dimension_numbers<[1], [0], [0], [1], [0, 0, 1, 1], [], []>, precision = #tpu.contract_precision<fp32>, transpose_lhs_hint = false} : vector<1000x640xf32>, vector<640x256xf32>, vector<1000x256xf32> -> vector<1000x256xf32>
    %add3A_22 = arith.addf %add3A, %dot_general3A_21 : vector<1000x256xf32>
    %get3A_23 = arith.constant 0 : index
    %get3A_24 = arith.constant 0 : index
    %get3A_25 = vector.load %arg4[%get3A_23, %get3A_24] : memref<1000x256xf32, #tpu.memory_space<vmem>>, vector<1000x256xf32>
    %get3A_26 = arith.constant 1024 : index
    %get3A_27 = arith.constant 0 : index
    %get3A_28 = vector.load %arg5[%get3A_26, %get3A_27] : memref<1280x256xf32, #tpu.memory_space<vmem>>, vector<256x256xf32>
    %dot_general3A_29 = arith.constant dense<0.000000e+00> : vector<1000x256xf32>
    %dot_general3A_30 = tpu.matmul %get3A_25, %get3A_28, %dot_general3A_29 {dimension_numbers = #tpu.dot_dimension_numbers<[1], [0], [0], [1], [0, 0, 1, 1], [], []>, precision = #tpu.contract_precision<fp32>, transpose_lhs_hint = false} : vector<1000x256xf32>, vector<256x256xf32>, vector<1000x256xf32> -> vector<1000x256xf32>
    %add3A_31 = arith.addf %add3A_22, %dot_general3A_30 : vector<1000x256xf32>
    %get3A_32 = arith.constant 0 : index
    %get3A_33 = arith.constant 0 : index
    %get3A_34 = vector.load %arg6[%get3A_32, %get3A_33] : memref<1x256xf32, #tpu.memory_space<vmem>>, vector<1x256xf32>
    %add3A_35 = vector.broadcast %get3A_34 : vector<1x256xf32> to vector<1000x256xf32>
    %add3A_36 = arith.addf %add3A_31, %add3A_35 : vector<1000x256xf32>
    %max3A = arith.constant 0.000000e+00 : f32
    %max3A_37 = vector.broadcast %max3A : f32 to vector<1000x256xf32>
    %max3A_38 = arith.maximumf %add3A_36, %max3A_37 : vector<1000x256xf32>
    %swap3A = arith.constant 0 : index
    %swap3A_39 = arith.constant 0 : index
    %swap3A_40 = vector.load %arg7[%swap3A, %swap3A_39] : memref<1000x256xf32, #tpu.memory_space<vmem>>, vector<1000x256xf32>
    tpu.vector_store %arg7[%swap3A, %swap3A_39], %max3A_38 {strides = array<i32>} : memref<1000x256xf32, #tpu.memory_space<vmem>>, vector<1000x256xf32>,
    return
  }
  func.func @transform_0(%arg0: i32) -> (i32, i32) {
    %c0_i32 = arith.constant 0 : i32
    %c0_i32_0 = arith.constant 0 : i32
    return %arg0, %c0_i32 : i32, i32
  }
  func.func @transform_1(%arg0: i32) -> (i32, i32) {
    %c0_i32 = arith.constant 0 : i32
    %c0_i32_0 = arith.constant 0 : i32
    return %arg0, %c0_i32 : i32, i32
  }
  func.func @transform_2(%arg0: i32) -> (i32, i32) {
    %c0_i32 = arith.constant 0 : i32
    %c0_i32_0 = arith.constant 0 : i32
    return %arg0, %c0_i32 : i32, i32
  }
  func.func @transform_3(%arg0: i32) -> (i32, i32) {
    %c0_i32 = arith.constant 0 : i32
    %c0_i32_0 = arith.constant 0 : i32
    return %arg0, %c0_i32 : i32, i32
  }
  func.func @transform_4(%arg0: i32) -> (i32, i32) {
    %c0_i32 = arith.constant 0 : i32
    %c0_i32_0 = arith.constant 0 : i32
    %c0_i32_1 = arith.constant 0 : i32
    return %c0_i32, %c0_i32_0 : i32, i32
  }
  func.func @transform_5(%arg0: i32) -> (i32, i32) {
    %c0_i32 = arith.constant 0 : i32
    %c0_i32_0 = arith.constant 0 : i32
    %c0_i32_1 = arith.constant 0 : i32
    return %c0_i32, %c0_i32_0 : i32, i32
  }
  func.func @transform_6(%arg0: i32) -> (i32, i32) {
    %c0_i32 = arith.constant 0 : i32
    %c0_i32_0 = arith.constant 0 : i32
    return %arg0, %c0_i32 : i32, i32
  }
}

module attributes {stable_mosaic.version = 14 : i64} {
  func.func @_pre_body(%arg0: i32, %arg1: memref<1000x256xf32, #tpu.memory_space<vmem>>, %arg2: memref<1000x16xf32, #tpu.memory_space<vmem>>, %arg3: memref<1000x16xf32, #tpu.memory_space<vmem>>, %arg4: memref<2x1000x128xf32, #tpu.memory_space<vmem>>) attributes {dimension_semantics = [#tpu.dimension_semantics<arbitrary>], iteration_bounds = array<i64: 10>, scalar_prefetch = 0 : i64, scratch_operands = 0 : i64, tpu.core_type = #tpu.core_type<tc>, window_params = [{transform_indices = @transform_0, window_bounds = array<i64: 1000, 256>}, {transform_indices = @transform_1, window_bounds = array<i64: 1000, 16>}, {transform_indices = @transform_2, window_bounds = array<i64: 1000, 16>}, {transform_indices = @transform_3, window_bounds = array<i64: 2, 1000, 128>}]} {
    %get3A = arith.constant 0 : index
    %get3A_0 = arith.constant 0 : index
    %get3A_1 = vector.load %arg2[%get3A, %get3A_0] : memref<1000x16xf32, #tpu.memory_space<vmem>>, vector<1000x16xf32>
    %get3A_2 = arith.constant 0 : index
    %get3A_3 = arith.constant 0 : index
    %get3A_4 = vector.load %arg3[%get3A_2, %get3A_3] : memref<1000x16xf32, #tpu.memory_space<vmem>>, vector<1000x16xf32>
    %slice3A = vector.extract_strided_slice %get3A_1 {offsets = [0, 0], sizes = [1000, 1], strides = [1, 1]} : vector<1000x16xf32> to vector<1000x1xf32>
    %slice3A_5 = vector.extract_strided_slice %get3A_4 {offsets = [0, 0], sizes = [1000, 1], strides = [1, 1]} : vector<1000x16xf32> to vector<1000x1xf32>
    %add3A = arith.addf %slice3A, %slice3A_5 : vector<1000x1xf32>
    %add3A_6 = arith.constant 1.000000e+00 : f32
    %add3A_7 = vector.broadcast %add3A_6 : f32 to vector<1000x1xf32>
    %add3A_8 = arith.addf %add3A, %add3A_7 : vector<1000x1xf32>
    %rsqrt3A = math.rsqrt %add3A_8 : vector<1000x1xf32>
    %get3A_9 = arith.constant 0 : index
    %get3A_10 = arith.constant 0 : index
    %get3A_11 = vector.load %arg1[%get3A_9, %get3A_10] : memref<1000x256xf32, #tpu.memory_space<vmem>>, vector<1000x256xf32>
    %mul3A = vector.broadcast %rsqrt3A : vector<1000x1xf32> to vector<1000x256xf32>
    %mul3A_12 = arith.mulf %get3A_11, %mul3A : vector<1000x256xf32>
    %slice3A_13 = vector.extract_strided_slice %mul3A_12 {offsets = [0, 0], sizes = [1000, 128], strides = [1, 1]} : vector<1000x256xf32> to vector<1000x128xf32>
    %slice3A_14 = vector.extract_strided_slice %mul3A_12 {offsets = [0, 128], sizes = [1000, 128], strides = [1, 1]} : vector<1000x256xf32> to vector<1000x128xf32>
    %stack3A = vector.shape_cast %slice3A_13 : vector<1000x128xf32> to vector<1x1000x128xf32>
    %stack3A_15 = vector.shape_cast %slice3A_14 : vector<1000x128xf32> to vector<1x1000x128xf32>
    %stack3A_16 = tpu.concatenate %stack3A, %stack3A_15 in 0 : vector<1x1000x128xf32>, vector<1x1000x128xf32> -> vector<2x1000x128xf32>
    %swap3A = arith.constant 0 : index
    %swap3A_17 = arith.constant 0 : index
    %swap3A_18 = arith.constant 0 : index
    %swap3A_19 = vector.load %arg4[%swap3A, %swap3A_17, %swap3A_18] : memref<2x1000x128xf32, #tpu.memory_space<vmem>>, vector<2x1000x128xf32>
    tpu.vector_store %arg4[%swap3A, %swap3A_17, %swap3A_18], %stack3A_16 {strides = array<i32>} : memref<2x1000x128xf32, #tpu.memory_space<vmem>>, vector<2x1000x128xf32>,
    return
  }
  func.func @transform_0(%arg0: i32) -> (i32, i32) {
    %c0_i32 = arith.constant 0 : i32
    %c0_i32_0 = arith.constant 0 : i32
    return %arg0, %c0_i32 : i32, i32
  }
  func.func @transform_1(%arg0: i32) -> (i32, i32) {
    %c0_i32 = arith.constant 0 : i32
    %c0_i32_0 = arith.constant 0 : i32
    return %arg0, %c0_i32 : i32, i32
  }
  func.func @transform_2(%arg0: i32) -> (i32, i32) {
    %c0_i32 = arith.constant 0 : i32
    %c0_i32_0 = arith.constant 0 : i32
    return %arg0, %c0_i32 : i32, i32
  }
  func.func @transform_3(%arg0: i32) -> (i32, i32, i32) {
    %c0_i32 = arith.constant 0 : i32
    %c0_i32_0 = arith.constant 0 : i32
    %c0_i32_1 = arith.constant 0 : i32
    return %c0_i32, %arg0, %c0_i32_0 : i32, i32, i32
  }
}

module attributes {stable_mosaic.version = 14 : i64} {
  func.func @_post_body(%arg0: i32, %arg1: memref<2x1000x128xf32, #tpu.memory_space<vmem>>, %arg2: memref<1000x256xf32, #tpu.memory_space<vmem>>, %arg3: memref<1000x16xf32, #tpu.memory_space<vmem>>, %arg4: memref<1000x16xf32, #tpu.memory_space<vmem>>, %arg5: memref<256x256xf32, #tpu.memory_space<vmem>>, %arg6: memref<1x256xf32, #tpu.memory_space<vmem>>, %arg7: memref<1000x256xf32, #tpu.memory_space<vmem>>, %arg8: memref<2x1000x128xf32, #tpu.memory_space<vmem>>) attributes {dimension_semantics = [#tpu.dimension_semantics<arbitrary>], iteration_bounds = array<i64: 10>, scalar_prefetch = 0 : i64, scratch_operands = 0 : i64, tpu.core_type = #tpu.core_type<tc>, window_params = [{transform_indices = @transform_0, window_bounds = array<i64: 2, 1000, 128>}, {transform_indices = @transform_1, window_bounds = array<i64: 1000, 256>}, {transform_indices = @transform_2, window_bounds = array<i64: 1000, 16>}, {transform_indices = @transform_3, window_bounds = array<i64: 1000, 16>}, {pipeline_mode = #tpu.pipeline_mode<synchronous>, transform_indices = @transform_4, window_bounds = array<i64: 256, 256>}, {pipeline_mode = #tpu.pipeline_mode<synchronous>, transform_indices = @transform_5, window_bounds = array<i64: 1, 256>}, {transform_indices = @transform_6, window_bounds = array<i64: 1000, 256>}, {transform_indices = @transform_7, window_bounds = array<i64: 2, 1000, 128>}]} {
    %get3A = arith.constant 0 : index
    %get3A_0 = arith.constant 0 : index
    %get3A_1 = vector.load %arg3[%get3A, %get3A_0] : memref<1000x16xf32, #tpu.memory_space<vmem>>, vector<1000x16xf32>
    %get3A_2 = arith.constant 0 : index
    %get3A_3 = arith.constant 0 : index
    %get3A_4 = vector.load %arg4[%get3A_2, %get3A_3] : memref<1000x16xf32, #tpu.memory_space<vmem>>, vector<1000x16xf32>
    %slice3A = vector.extract_strided_slice %get3A_1 {offsets = [0, 0], sizes = [1000, 1], strides = [1, 1]} : vector<1000x16xf32> to vector<1000x1xf32>
    %slice3A_5 = vector.extract_strided_slice %get3A_4 {offsets = [0, 0], sizes = [1000, 1], strides = [1, 1]} : vector<1000x16xf32> to vector<1000x1xf32>
    %add3A = arith.addf %slice3A, %slice3A_5 : vector<1000x1xf32>
    %add3A_6 = arith.constant 1.000000e+00 : f32
    %add3A_7 = vector.broadcast %add3A_6 : f32 to vector<1000x1xf32>
    %add3A_8 = arith.addf %add3A, %add3A_7 : vector<1000x1xf32>
    %rsqrt3A = math.rsqrt %add3A_8 : vector<1000x1xf32>
    %div3A = arith.constant 1.000000e+00 : f32
    %div3A_9 = vector.broadcast %div3A : f32 to vector<1000x1xf32>
    %div3A_10 = arith.divf %div3A_9, %add3A_8 : vector<1000x1xf32>
    %get3A_11 = arith.constant 0 : index
    %get3A_12 = arith.constant 0 : index
    %get3A_13 = arith.constant 0 : index
    %get3A_14 = vector.load %arg1[%get3A_11, %get3A_12, %get3A_13] : memref<2x1000x128xf32, #tpu.memory_space<vmem>>, vector<1x1000x128xf32>
    %get3A_15 = vector.shape_cast %get3A_14 : vector<1x1000x128xf32> to vector<1000x128xf32>
    %get3A_16 = arith.constant 1 : index
    %get3A_17 = arith.constant 0 : index
    %get3A_18 = arith.constant 0 : index
    %get3A_19 = vector.load %arg1[%get3A_16, %get3A_17, %get3A_18] : memref<2x1000x128xf32, #tpu.memory_space<vmem>>, vector<1x1000x128xf32>
    %get3A_20 = vector.shape_cast %get3A_19 : vector<1x1000x128xf32> to vector<1000x128xf32>
    %concatenate3A = tpu.concatenate %get3A_15, %get3A_20 in 1 : vector<1000x128xf32>, vector<1000x128xf32> -> vector<1000x256xf32>
    %mul3A = vector.broadcast %rsqrt3A : vector<1000x1xf32> to vector<1000x256xf32>
    %mul3A_21 = arith.mulf %concatenate3A, %mul3A : vector<1000x256xf32>
    %get3A_22 = arith.constant 0 : index
    %get3A_23 = arith.constant 0 : index
    %get3A_24 = vector.load %arg2[%get3A_22, %get3A_23] : memref<1000x256xf32, #tpu.memory_space<vmem>>, vector<1000x256xf32>
    %mul3A_25 = vector.broadcast %div3A_10 : vector<1000x1xf32> to vector<1000x256xf32>
    %mul3A_26 = arith.mulf %get3A_24, %mul3A_25 : vector<1000x256xf32>
    %add3A_27 = arith.addf %mul3A_21, %mul3A_26 : vector<1000x256xf32>
    %get3A_28 = arith.constant 0 : index
    %get3A_29 = arith.constant 0 : index
    %get3A_30 = vector.load %arg5[%get3A_28, %get3A_29] : memref<256x256xf32, #tpu.memory_space<vmem>>, vector<256x256xf32>
    %dot_general3A = arith.constant dense<0.000000e+00> : vector<1000x256xf32>
    %dot_general3A_31 = tpu.matmul %add3A_27, %get3A_30, %dot_general3A {dimension_numbers = #tpu.dot_dimension_numbers<[1], [0], [0], [1], [0, 0, 1, 1], [], []>, precision = #tpu.contract_precision<fp32>, transpose_lhs_hint = false} : vector<1000x256xf32>, vector<256x256xf32>, vector<1000x256xf32> -> vector<1000x256xf32>
    %get3A_32 = arith.constant 0 : index
    %get3A_33 = arith.constant 0 : index
    %get3A_34 = vector.load %arg6[%get3A_32, %get3A_33] : memref<1x256xf32, #tpu.memory_space<vmem>>, vector<1x256xf32>
    %add3A_35 = vector.broadcast %get3A_34 : vector<1x256xf32> to vector<1000x256xf32>
    %add3A_36 = arith.addf %dot_general3A_31, %add3A_35 : vector<1000x256xf32>
    %max3A = arith.constant 0.000000e+00 : f32
    %max3A_37 = vector.broadcast %max3A : f32 to vector<1000x256xf32>
    %max3A_38 = arith.maximumf %add3A_36, %max3A_37 : vector<1000x256xf32>
    %swap3A = arith.constant 0 : index
    %swap3A_39 = arith.constant 0 : index
    %swap3A_40 = vector.load %arg7[%swap3A, %swap3A_39] : memref<1000x256xf32, #tpu.memory_space<vmem>>, vector<1000x256xf32>
    tpu.vector_store %arg7[%swap3A, %swap3A_39], %max3A_38 {strides = array<i32>} : memref<1000x256xf32, #tpu.memory_space<vmem>>, vector<1000x256xf32>,
    %mul3A_41 = vector.broadcast %rsqrt3A : vector<1000x1xf32> to vector<1000x256xf32>
    %mul3A_42 = arith.mulf %max3A_38, %mul3A_41 : vector<1000x256xf32>
    %slice3A_43 = vector.extract_strided_slice %mul3A_42 {offsets = [0, 0], sizes = [1000, 128], strides = [1, 1]} : vector<1000x256xf32> to vector<1000x128xf32>
    %slice3A_44 = vector.extract_strided_slice %mul3A_42 {offsets = [0, 128], sizes = [1000, 128], strides = [1, 1]} : vector<1000x256xf32> to vector<1000x128xf32>
    %stack3A = vector.shape_cast %slice3A_43 : vector<1000x128xf32> to vector<1x1000x128xf32>
    %stack3A_45 = vector.shape_cast %slice3A_44 : vector<1000x128xf32> to vector<1x1000x128xf32>
    %stack3A_46 = tpu.concatenate %stack3A, %stack3A_45 in 0 : vector<1x1000x128xf32>, vector<1x1000x128xf32> -> vector<2x1000x128xf32>
    %swap3A_47 = arith.constant 0 : index
    %swap3A_48 = arith.constant 0 : index
    %swap3A_49 = arith.constant 0 : index
    %swap3A_50 = vector.load %arg8[%swap3A_47, %swap3A_48, %swap3A_49] : memref<2x1000x128xf32, #tpu.memory_space<vmem>>, vector<2x1000x128xf32>
    tpu.vector_store %arg8[%swap3A_47, %swap3A_48, %swap3A_49], %stack3A_46 {strides = array<i32>} : memref<2x1000x128xf32, #tpu.memory_space<vmem>>, vector<2x1000x128xf32>,
    return
  }
  func.func @transform_0(%arg0: i32) -> (i32, i32, i32) {
    %c0_i32 = arith.constant 0 : i32
    %c0_i32_0 = arith.constant 0 : i32
    %c0_i32_1 = arith.constant 0 : i32
    return %c0_i32, %arg0, %c0_i32_0 : i32, i32, i32
  }
  func.func @transform_1(%arg0: i32) -> (i32, i32) {
    %c0_i32 = arith.constant 0 : i32
    %c0_i32_0 = arith.constant 0 : i32
    return %arg0, %c0_i32 : i32, i32
  }
  func.func @transform_2(%arg0: i32) -> (i32, i32) {
    %c0_i32 = arith.constant 0 : i32
    %c0_i32_0 = arith.constant 0 : i32
    return %arg0, %c0_i32 : i32, i32
  }
  func.func @transform_3(%arg0: i32) -> (i32, i32) {
    %c0_i32 = arith.constant 0 : i32
    %c0_i32_0 = arith.constant 0 : i32
    return %arg0, %c0_i32 : i32, i32
  }
  func.func @transform_4(%arg0: i32) -> (i32, i32) {
    %c0_i32 = arith.constant 0 : i32
    %c0_i32_0 = arith.constant 0 : i32
    %c0_i32_1 = arith.constant 0 : i32
    return %c0_i32, %c0_i32_0 : i32, i32
  }
  func.func @transform_5(%arg0: i32) -> (i32, i32) {
    %c0_i32 = arith.constant 0 : i32
    %c0_i32_0 = arith.constant 0 : i32
    %c0_i32_1 = arith.constant 0 : i32
    return %c0_i32, %c0_i32_0 : i32, i32
  }
  func.func @transform_6(%arg0: i32) -> (i32, i32) {
    %c0_i32 = arith.constant 0 : i32
    %c0_i32_0 = arith.constant 0 : i32
    return %arg0, %c0_i32 : i32, i32
  }
  func.func @transform_7(%arg0: i32) -> (i32, i32, i32) {
    %c0_i32 = arith.constant 0 : i32
    %c0_i32_0 = arith.constant 0 : i32
    %c0_i32_1 = arith.constant 0 : i32
    return %c0_i32, %arg0, %c0_i32_0 : i32, i32, i32
  }
}

module attributes {stable_mosaic.version = 14 : i64} {
  func.func @_post_body(%arg0: i32, %arg1: memref<2x1000x128xf32, #tpu.memory_space<vmem>>, %arg2: memref<1000x256xf32, #tpu.memory_space<vmem>>, %arg3: memref<1000x16xf32, #tpu.memory_space<vmem>>, %arg4: memref<1000x16xf32, #tpu.memory_space<vmem>>, %arg5: memref<256x256xf32, #tpu.memory_space<vmem>>, %arg6: memref<1x256xf32, #tpu.memory_space<vmem>>, %arg7: memref<1000x256xf32, #tpu.memory_space<vmem>>) attributes {dimension_semantics = [#tpu.dimension_semantics<arbitrary>], iteration_bounds = array<i64: 10>, scalar_prefetch = 0 : i64, scratch_operands = 0 : i64, tpu.core_type = #tpu.core_type<tc>, window_params = [{transform_indices = @transform_0, window_bounds = array<i64: 2, 1000, 128>}, {transform_indices = @transform_1, window_bounds = array<i64: 1000, 256>}, {transform_indices = @transform_2, window_bounds = array<i64: 1000, 16>}, {transform_indices = @transform_3, window_bounds = array<i64: 1000, 16>}, {pipeline_mode = #tpu.pipeline_mode<synchronous>, transform_indices = @transform_4, window_bounds = array<i64: 256, 256>}, {pipeline_mode = #tpu.pipeline_mode<synchronous>, transform_indices = @transform_5, window_bounds = array<i64: 1, 256>}, {transform_indices = @transform_6, window_bounds = array<i64: 1000, 256>}]} {
    %get3A = arith.constant 0 : index
    %get3A_0 = arith.constant 0 : index
    %get3A_1 = vector.load %arg3[%get3A, %get3A_0] : memref<1000x16xf32, #tpu.memory_space<vmem>>, vector<1000x16xf32>
    %get3A_2 = arith.constant 0 : index
    %get3A_3 = arith.constant 0 : index
    %get3A_4 = vector.load %arg4[%get3A_2, %get3A_3] : memref<1000x16xf32, #tpu.memory_space<vmem>>, vector<1000x16xf32>
    %slice3A = vector.extract_strided_slice %get3A_1 {offsets = [0, 0], sizes = [1000, 1], strides = [1, 1]} : vector<1000x16xf32> to vector<1000x1xf32>
    %slice3A_5 = vector.extract_strided_slice %get3A_4 {offsets = [0, 0], sizes = [1000, 1], strides = [1, 1]} : vector<1000x16xf32> to vector<1000x1xf32>
    %add3A = arith.addf %slice3A, %slice3A_5 : vector<1000x1xf32>
    %add3A_6 = arith.constant 1.000000e+00 : f32
    %add3A_7 = vector.broadcast %add3A_6 : f32 to vector<1000x1xf32>
    %add3A_8 = arith.addf %add3A, %add3A_7 : vector<1000x1xf32>
    %rsqrt3A = math.rsqrt %add3A_8 : vector<1000x1xf32>
    %div3A = arith.constant 1.000000e+00 : f32
    %div3A_9 = vector.broadcast %div3A : f32 to vector<1000x1xf32>
    %div3A_10 = arith.divf %div3A_9, %add3A_8 : vector<1000x1xf32>
    %get3A_11 = arith.constant 0 : index
    %get3A_12 = arith.constant 0 : index
    %get3A_13 = arith.constant 0 : index
    %get3A_14 = vector.load %arg1[%get3A_11, %get3A_12, %get3A_13] : memref<2x1000x128xf32, #tpu.memory_space<vmem>>, vector<1x1000x128xf32>
    %get3A_15 = vector.shape_cast %get3A_14 : vector<1x1000x128xf32> to vector<1000x128xf32>
    %get3A_16 = arith.constant 1 : index
    %get3A_17 = arith.constant 0 : index
    %get3A_18 = arith.constant 0 : index
    %get3A_19 = vector.load %arg1[%get3A_16, %get3A_17, %get3A_18] : memref<2x1000x128xf32, #tpu.memory_space<vmem>>, vector<1x1000x128xf32>
    %get3A_20 = vector.shape_cast %get3A_19 : vector<1x1000x128xf32> to vector<1000x128xf32>
    %concatenate3A = tpu.concatenate %get3A_15, %get3A_20 in 1 : vector<1000x128xf32>, vector<1000x128xf32> -> vector<1000x256xf32>
    %mul3A = vector.broadcast %rsqrt3A : vector<1000x1xf32> to vector<1000x256xf32>
    %mul3A_21 = arith.mulf %concatenate3A, %mul3A : vector<1000x256xf32>
    %get3A_22 = arith.constant 0 : index
    %get3A_23 = arith.constant 0 : index
    %get3A_24 = vector.load %arg2[%get3A_22, %get3A_23] : memref<1000x256xf32, #tpu.memory_space<vmem>>, vector<1000x256xf32>
    %mul3A_25 = vector.broadcast %div3A_10 : vector<1000x1xf32> to vector<1000x256xf32>
    %mul3A_26 = arith.mulf %get3A_24, %mul3A_25 : vector<1000x256xf32>
    %add3A_27 = arith.addf %mul3A_21, %mul3A_26 : vector<1000x256xf32>
    %get3A_28 = arith.constant 0 : index
    %get3A_29 = arith.constant 0 : index
    %get3A_30 = vector.load %arg5[%get3A_28, %get3A_29] : memref<256x256xf32, #tpu.memory_space<vmem>>, vector<256x256xf32>
    %dot_general3A = arith.constant dense<0.000000e+00> : vector<1000x256xf32>
    %dot_general3A_31 = tpu.matmul %add3A_27, %get3A_30, %dot_general3A {dimension_numbers = #tpu.dot_dimension_numbers<[1], [0], [0], [1], [0, 0, 1, 1], [], []>, precision = #tpu.contract_precision<fp32>, transpose_lhs_hint = false} : vector<1000x256xf32>, vector<256x256xf32>, vector<1000x256xf32> -> vector<1000x256xf32>
    %get3A_32 = arith.constant 0 : index
    %get3A_33 = arith.constant 0 : index
    %get3A_34 = vector.load %arg6[%get3A_32, %get3A_33] : memref<1x256xf32, #tpu.memory_space<vmem>>, vector<1x256xf32>
    %add3A_35 = vector.broadcast %get3A_34 : vector<1x256xf32> to vector<1000x256xf32>
    %add3A_36 = arith.addf %dot_general3A_31, %add3A_35 : vector<1000x256xf32>
    %swap3A = arith.constant 0 : index
    %swap3A_37 = arith.constant 0 : index
    %swap3A_38 = vector.load %arg7[%swap3A, %swap3A_37] : memref<1000x256xf32, #tpu.memory_space<vmem>>, vector<1000x256xf32>
    tpu.vector_store %arg7[%swap3A, %swap3A_37], %add3A_36 {strides = array<i32>} : memref<1000x256xf32, #tpu.memory_space<vmem>>, vector<1000x256xf32>,
    return
  }
  func.func @transform_0(%arg0: i32) -> (i32, i32, i32) {
    %c0_i32 = arith.constant 0 : i32
    %c0_i32_0 = arith.constant 0 : i32
    %c0_i32_1 = arith.constant 0 : i32
    return %c0_i32, %arg0, %c0_i32_0 : i32, i32, i32
  }
  func.func @transform_1(%arg0: i32) -> (i32, i32) {
    %c0_i32 = arith.constant 0 : i32
    %c0_i32_0 = arith.constant 0 : i32
    return %arg0, %c0_i32 : i32, i32
  }
  func.func @transform_2(%arg0: i32) -> (i32, i32) {
    %c0_i32 = arith.constant 0 : i32
    %c0_i32_0 = arith.constant 0 : i32
    return %arg0, %c0_i32 : i32, i32
  }
  func.func @transform_3(%arg0: i32) -> (i32, i32) {
    %c0_i32 = arith.constant 0 : i32
    %c0_i32_0 = arith.constant 0 : i32
    return %arg0, %c0_i32 : i32, i32
  }
  func.func @transform_4(%arg0: i32) -> (i32, i32) {
    %c0_i32 = arith.constant 0 : i32
    %c0_i32_0 = arith.constant 0 : i32
    %c0_i32_1 = arith.constant 0 : i32
    return %c0_i32, %c0_i32_0 : i32, i32
  }
  func.func @transform_5(%arg0: i32) -> (i32, i32) {
    %c0_i32 = arith.constant 0 : i32
    %c0_i32_0 = arith.constant 0 : i32
    %c0_i32_1 = arith.constant 0 : i32
    return %c0_i32, %c0_i32_0 : i32, i32
  }
  func.func @transform_6(%arg0: i32) -> (i32, i32) {
    %c0_i32 = arith.constant 0 : i32
    %c0_i32_0 = arith.constant 0 : i32
    return %arg0, %c0_i32 : i32, i32
  }
}

</mosaic_0001>

<sc_bundles>
// kernel: kernel.12.cloned.1.call-start
scs
__scs_entry_jumppad:
0x0: {  	(pc) =	sbr.rel $0x88, $3  }
0x1: {  	(tag) =	ssettag $0x0;
	lr =	simm.s32 $0x1  }
0x2: {  	[smem:$0x3F96] =	sst lr;
	_ =	strace $0xD0000000  }
0x3: {  	_ = 	snop  }
0x4: {  	_ = 	snop  }
0x5: {  	_ = 	snop  }
0x6: {  	_ = 	snop  }
0x7: {  	_ = 	snop  }
__scs_overlays_trampoline_lowered:
0x8: {  	[smem:$0x3FA5] =	sst s0  }
0x9: {  	[smem:$0x3FA6] =	sst s1  }
0xa: {  	[smem:$0x3FA7] =	sst s2  }
0xb: {  	[smem:$0x3FA8] =	sst s3  }
0xc: {  	[smem:$0x3FA9] =	sst s4  }
0xd: {  	[smem:$0x3FAA] =	sst s5  }
0xe: {  	[smem:$0x3FAB] =	sst s6  }
0xf: {  	[smem:$0x3FAC] =	sst s7  }
0x10: {  	[smem:$0x3FAD] =	sst s8  }
0x11: {  	[smem:$0x3FAE] =	sst s9;
	s0 =	simm.s32 @!p0 $0x0  }
0x12: {  	s1 =	sld [smem:$0x3F94];
	s0 =	simm.s32 @p0 $0x1  }
0x13: {  	[smem:$0x3FAF] =	sst s0;
	s0 =	simm.s32 @!p1 $0x0  }
0x14: {  	s2 =	sld [smem:$0x3F93];
	s0 =	simm.s32 @p1 $0x1  }
0x15: {  	[smem:$0x3FB0] =	sst s0;
	s0 =	simm.s32 @!p2 $0x0  }
0x16: {  	s3 =	sld [smem:$0x3FDB];
	s0 =	simm.s32 @p2 $0x1  }
0x17: {  	s4 =	simm.s32 $0x1BF5;
	[smem:$0x3FB2] =	sst s0  }
0x18: {  	s0 =	sld [smem:$0x3F95];
	_ =	swait.ge [sflag:s4], $0x0  }
0x19: {  	s7 =	sld [smem:$0x3F96]  }
0x1a: {  	s8 =	sadd.s32 $0xFFFFE003, lr  }
0x1b: {  	s9 =	sadd.s32 $0xFFFFFEF7, lr;
	s5 =	simm.s32 $0xFFFFFFFF;
	p2 =	slt.u32 s8, $0xFFFFF086  }
0x1c: {  	p1 =	slt.u32 s9, $0xF7A;
	s5 =	simm.s32 @!p2 $0x0  }
0x1d: {  	s5 =	simm.s32 @p1 $0x1;
	p0 =	seq.s32 s7, s2  }
0x1e: {  	s7 =	smul.u32 @!p0 $0xF7A, s2;
	p2 =	seq.s32 @!p0 s5, $0x0  }
0x1f: {  	s9 =	smul.u32 $0xF7A, s1;
	s8 =	simm.s32 @!p0 $0x1BF5;
	p2 =	por !p2, p0  }
0x20: {  	[sflag:s8] =	ssyncset.s32 @!p0 $0xFFFFF086;
	s6 =	sadd.s32 @!p0 s3, s7;
	s7 =	simm.s32 @!p0 $0x108  }
0x21: {  	s3 =	sadd.s32 s3, s9;
	s6 =	sadd.s32 @!p0 $0x88, s6;
	s7 =	simm.s32 @p2 $0x1082  }
0x22: {  	[simem:s7], [sflag:s8] =	dma.local @!p0 [hbm:s6], $0xF7A  }
0x23: {  	s9 =	sor.u32 $0xD0000000, s2;
	s6 =	simm.s32 $0x108;
	_ =	swait.ge @!p0 [sflag:s8], $0x0  }
0x24: {  	s3 =	sadd.s32 $0x88, s3;
	s6 =	simm.s32 @!p1 $0x1082;
	[sflag:s4] =	ssyncset.s32 $0xFFFFF086  }
0x25: {  	[simem:s6], [sflag:s4] =	dma.local [hbm:s3], $0xF7A  }
0x26: {  	[smem:$0x3F96] =	sst s1;
	(tag) =	ssettag s2;
	_ =	strace s9  }
0x27: {  	s1 =	sld [smem:$0x3FA6]  }
0x28: {  	s2 =	sld [smem:$0x3FA7]  }
0x29: {  	s4 =	sld [smem:$0x3FA9]  }
0x2a: {  	p0 =	seq.s32 s5, $0x0;
	s5 =	sld [smem:$0x3FAA]  }
0x2b: {  	s6 =	sld [smem:$0x3FAB]  }
0x2c: {  	s7 =	sld [smem:$0x3FAC]  }
0x2d: {  	s3 =	simm.s32 $0x108;
	s8 =	sld [smem:$0x3FAD]  }
0x2e: {  	s3 =	simm.s32 @!p0 $0x1082;
	s9 =	sld [smem:$0x3FAE]  }
0x2f: {  	lr =	sadd.s32 s0, s3;
	s0 =	sld [smem:$0x3FA5]  }
0x30: {  	s3 =	sld [smem:$0x3FA8]  }
0x31: {  	[smem:$0x3FB1] =	sst s10  }
0x32: {  	s10 =	sld [smem:$0x3FAF];
	_ =	sdelay $0x3  }
0x33: {  	p0 =	seq.s32 s10, $0x1;
	s10 =	sld [smem:$0x3FB1];
	_ =	sdelay $0x3  }
0x34: {  	[smem:$0x3FB1] =	sst s10  }
0x35: {  	s10 =	sld [smem:$0x3FB0];
	_ =	sdelay $0x3  }
0x36: {  	p1 =	seq.s32 s10, $0x1;
	s10 =	sld [smem:$0x3FB1];
	_ =	sdelay $0x3  }
0x37: {  	[smem:$0x3FB1] =	sst s10  }
0x38: {  	s10 =	sld [smem:$0x3FB2]  }
0x39: {  	_ = 	snop;
	(pc) =	sbr.ind lr, $3  }
0x3a: {  	_ = 	snop  }
0x3b: {  	_ = 	snop  }
0x3c: {  	p2 =	seq.s32 s10, $0x1;
	s10 =	sld [smem:$0x3FB1]  }
0x3d: {  	_ =	shalt  }
0x3e: {  	_ =	shalt  }
0x3f: {  	_ =	shalt  }
0x40: {  	_ =	shalt  }
0x41: {  	_ =	shalt  }
0x42: {  	_ =	shalt  }
0x43: {  	_ =	shalt  }
0x44: {  	_ =	shalt  }
0x45: {  	_ =	shalt  }
0x46: {  	_ =	shalt  }
0x47: {  	_ =	shalt  }
0x48: {  	_ =	shalt  }
0x49: {  	_ =	shalt  }
0x4a: {  	_ =	shalt  }
0x4b: {  	_ =	shalt  }
0x4c: {  	_ =	shalt  }
0x4d: {  	_ =	shalt  }
0x4e: {  	_ =	shalt  }
0x4f: {  	_ =	shalt  }
0x50: {  	_ =	shalt  }
0x51: {  	_ =	shalt  }
0x52: {  	_ =	shalt  }
0x53: {  	_ =	shalt  }
0x54: {  	_ =	shalt  }
0x55: {  	_ =	shalt  }
0x56: {  	_ =	shalt  }
0x57: {  	_ =	shalt  }
0x58: {  	_ =	shalt  }
0x59: {  	_ =	shalt  }
0x5a: {  	_ =	shalt  }
0x5b: {  	_ =	shalt  }
0x5c: {  	_ =	shalt  }
0x5d: {  	_ =	shalt  }
0x5e: {  	_ =	shalt  }
0x5f: {  	_ =	shalt  }
0x60: {  	_ =	shalt  }
0x61: {  	_ =	shalt  }
0x62: {  	_ =	shalt  }
0x63: {  	_ =	shalt  }
0x64: {  	_ =	shalt  }
0x65: {  	_ =	shalt  }
0x66: {  	_ =	shalt  }
0x67: {  	_ =	shalt  }
0x68: {  	_ =	shalt  }
0x69: {  	_ =	shalt  }
0x6a: {  	_ =	shalt  }
0x6b: {  	_ =	shalt  }
0x6c: {  	_ =	shalt  }
0x6d: {  	_ =	shalt  }
0x6e: {  	_ =	shalt  }
0x6f: {  	_ =	shalt  }
0x70: {  	_ =	shalt  }
0x71: {  	_ =	shalt  }
0x72: {  	_ =	shalt  }
0x73: {  	_ =	shalt  }
0x74: {  	_ =	shalt  }
0x75: {  	_ =	shalt  }
0x76: {  	_ =	shalt  }
0x77: {  	_ =	shalt  }
0x78: {  	_ =	shalt  }
0x79: {  	_ =	shalt  }
0x7a: {  	_ =	shalt  }
0x7b: {  	_ =	shalt  }
0x7c: {  	_ =	shalt  }
0x7d: {  	_ =	shalt  }
0x7e: {  	_ =	shalt  }
0x7f: {  	_ =	shalt  }
0x80: {  	_ =	shalt  }
0x81: {  	_ =	shalt  }
0x82: {  	_ =	shalt  }
0x83: {  	_ =	shalt  }
0x84: {  	_ =	shalt  }
0x85: {  	_ =	shalt  }
0x86: {  	_ =	shalt  }
0x87: {  	_ =	shalt  }
.Lfunc_end0:
.L_simem_size_0:
called_computation.1_lowered:
.L_overlay_start_0:
0x88: {  	s2 =	sld [smem:$0x3FD9]  }
0x89: {  	s3 =	sld [smem:$0x3FFE];
	_ =	sdelay $0x1  }
0x8a: {  	s1 =	srdreg.scid  }
0x8b: {  	s0 =	sand.u32 $0x1, s1  }
0x8c: {  	s16 =	sshll.u32 s0, $0xA;
	s2 =	sadd.s32 s3, s2  }
0x8d: {  	s2 =	sadd.s32 s2, s16  }
0x8e: {  	[smem:$0x3FBD] =	sst s2  }
0x8f: {  	_ = 	snop  }
0x90: {  	(tm) =	ssettm $0x1  }
0x91: {  	s17 =	sld [smem:$0x3FFB];
	_ =	sdelay $0x3  }
0x92: {  	_ =	strace s17  }
0x93: {  	s2 =	sld [smem:$0x3FFC];
	_ =	sdelay $0x3  }
0x94: {  	_ =	strace s2  }
0x95: {  	s2 =	sld [smem:$0x3FFD];
	_ =	sdelay $0x3  }
0x96: {  	_ =	strace s2  }
0x97: {  	_ =	strace $0x8FFFFFFF  }
0x98: {  	s18 =	sld [smem:$0x3FDB];
	_ =	sdelay $0x1  }
0x99: {  	s19 =	simm.s32 $_scs_section_size  }
0x9a: {  	s4 =	simm.s32 $_size__tile_overlayer_lowered;
	s5 =	simm.s32 $_tile_overlayer_lowered  }
0x9b: {  	s22 =	simm.s32 $0x1BFF;
	s21 =	sshll.u32 s5, $0x1;
	s2 =	sadd.s32 s19, s18  }
0x9c: {  	s6 =	simm.s32 $0x0;
	s20 =	sshll.u32 s4, $0x1;
	s4 =	sadd.s32 s21, s2  }
0x9d: {  	[timem:s6], [sflag:s22] =	dma.local [hbm:s4], s20  }
0x9e: {  	_ =	swait.ge [sflag:s22], s20  }
0x9f: {  	s3 =	ssub.s32 $0x0, s20;
	[sflag:s22] =	ssyncset.done $0x0  }
0xa0: {  	[sflag:s22] =	ssyncadd.s32 s3;
	_ =	sdelay $0x1  }
0xa1: {  	s23 =	simm.s32 $0x1B8B  }
0xa2: {  	_ =	swait.ge [sflag:s23], $0x1  }
0xa3: {  	[sflag:s23] =	ssyncset.done $0x0  }
0xa4: {  	s25 =	simm.s32 $0x1B8E;
	s24 =	sld [smem:$0x3FFE];
	[sflag:s23] =	ssyncadd.s32 $0xFFFFFFFF  }
0xa5: {  	s26 =	simm.s32 $execute0_lowered;
	[smem:$0x3FD2] =	sst s25  }
0xa6: {  	s4 =	sshll.u32 s26, $0x1;
	_ =	strace $0x80000049;
	[dreg:$0x1] =	wrdreg $0xFFFFFFFF  }
0xa7: {  	s28 =	simm.s32 $_size_execute0_lowered;
	s2 =	sadd.s32 s2, s4;
	[dreg:$0x0] =	wrdreg $0x0  }
0xa8: {  	s4 =	sshll.u32 s28, $0x1;
	[dreg:$0x2] =	wrdreg s2  }
0xa9: {  	[dreg:$0x3] =	wrdreg s4  }
0xaa: {  	[dreg:$0x4] =	wrdreg $0xC0  }
0xab: {  	_ =	task [dreg:s6], $0x5FFFF  }
0xac: {  	[dreg:$0x1] =	wrdreg $0xFFFFFFFF  }
0xad: {  	[dreg:$0x0] =	wrdreg $0x60  }
0xae: {  	[dreg:$0x2] =	wrdreg s24  }
0xaf: {  	[dreg:$0x3] =	wrdreg $0x90000  }
0xb0: {  	[dreg:$0x4] =	wrdreg $0x9  }
0xb1: {  	_ =	task.clear_ibuf [dreg:s6], $0x5FFFF;
	_ =	strace $0x90000049  }
0xb2: {  	s29 =	simm.s32 $0x9;
	_ =	strace $0x8000004B  }
0xb3: {  	_ =	swait.ge [sflag:s29], $0x1  }
0xb4: {  	[sflag:s29] =	ssyncadd.s32 $0xFFFFFFFF  }
0xb5: {  	_ =	strace $0x9000004B  }
0xb6: {  	_ =	sfence  }
0xb7: {  	s30 =	sld [smem:$0x0];
	_ =	sdelay $0x2  }
0xb8: {  	s31 =	sshll.u32 s1, $0xD;
	s1 =	sshrl.u32 s1, $0x2  }
0xb9: {  	s3 =	sand.u32 $0x4000, s31;
	s1 =	sadd.s32 s1, s30  }
0xba: {  	s0 =	sor.u32 s3, s0;
	s1 =	sshll.u32 s1, $0x11  }
0xbb: {  	s0 =	sor.u32 s1, s0  }
0xbc: {  	s0 =	sadd.s32 $0x8F2B, s0  }
0xbd: {  	[sflag:s0] =	ssyncadd.remote.s32 $0x1  }
0xbe: {  	_ =	sfence.sel $0xFFFF  }
0xbf: {  	[dreg:$0x0] =	wrdreg $0xFFFFFFFF;
	(pc) =	sbr.abs _section_cstart, $3  }
0xc0: {  	[dreg:$0x1] =	wrdreg $0xFFFFFFFF  }
0xc1: {  	_ =	task.clear_ibuf [dreg:s6], $0x2FFFF;
	_ =	strace $0x9FFFFFFF  }
0xc2: {  	(tm) =	ssettm $0x7FFFFFFF  }
0xc3: {  	_ =	shalt  }
tec
execute0_lowered:
.L_overlay_start_1:
0x0: {  	(tag) =	ssettag $0x1  }
0x1: {  	s6 =	rddreg [dreg:$0x0]  }
0x2: {  	s1 =	srdreg.scid;
	s0 =	stileid.u32  }
0x3: {  	s2 =	rddreg [dreg:$0x1];
	s7 =	smul.u32 $0x2800, s0  }
0x4: {  	s3 =	simm.s32 $0x0;
	s15 =	simm.s32 $0x5000;
	s10 =	smul.u32 $0x14000, s0  }
0x5: {  	s5 =	sand.u32 $0x1, s1;
	s1 =	rddreg [dreg:$0x2];
	s28 =	smul.u32 $0x50000, s0  }
0x6: {  	s16 =	simm.s32 $0x0;
	[smem:$0x7FF] =	sst s3;
	s4 =	smul.u32 $0x28000, s5  }
0x7: {  	s31 =	sshll.u32 s0, $0x6;
	s8 =	smul.u32 $0x140000, s5;
	s26 =	ssub.s32 $0x2, s5  }
0x8: {  	_ =	strace $0x8000004A;
	s5 =	sadd.s32 $0x55400, s6;
	s29 =	sshrl.u32 s26, $0x1  }
0x9: {  	s30 =	sshrl.u32 s28, $0x2;
	s9 =	sadd.s32 s7, s4;
	s4 =	sadd.s32 $0x7200, s6  }
0xa: {  	s7 =	sshrl.u32 s7, $0x3;
	s25 =	sadd.s32 s10, s8;
	s13 =	ssub.s32 s26, s29  }
0xb: {  	s14 =	sadd.s32 s30, s2;
	s9 =	sshrl.u32 s9, $0x3;
	s11 =	sadd.s32 s7, s6  }
0xc: {  	s7 =	sshrl.u32 s25, $0x3;
	s10 =	smax.u32 s13, $0x1;
	s13 =	simm.s32 $0x2800  }
0xd: {  	s9 =	sadd.s32 s9, s6;
	s12 =	sadd.s32 s7, s6;
	s6 =	sor.u32 $0x1C01, s31  }
0xe: {  	s8 =	sadd.s32 $0x2200, s11;
	s11 =	sshrl.u32 s14, $0x3;
	s14 =	simm.s32 $0x80  }
0xf: {  	s7 =	sadd.s32 $0x59E00, s9;
	s9 =	sadd.s32 $0x63E00, s12;
	s12 =	simm.s32 $0x1  }
.LBB2_1:
0x10: {  	[spmem:s11], [sflag:s6] =	dma.local [hbm:s5], $0x2800  }
0x11: {  	_ =	swait.ge [sflag:s12], $0x2800  }
0x12: {  	[sflag:s12] =	ssyncset.done $0x0  }
0x13: {  	[sflag:s12] =	ssyncadd.s32 $0xFFFFD800  }
0x14: {  	[bflag:$0x0] =	sbarrier.arrive $0xFFFF  }
0x15: {  	[tilespmem:s3], [sflag:$0x1] =	stream.linear.gather [hbm4b:s7+s3], $0x2800, $0x38;
	[tilespmem:$0x1D000] =	vst v63  }
0x16: {  	_ =	swait.ge [sflag:s12], $0x2800  }
0x17: {  	[sflag:s12] =	ssyncset.done $0x0  }
0x18: {  	[sflag:s12] =	ssyncadd.s32 $0xFFFFD800  }
0x19: {  	[tilespmem:s13], [sflag:$0x1] =	stream.linear.gather [hbm4b:s8+s3], $0x2800, $0x38;
	[tilespmem:$0x1D000] =	vst v63  }
0x1a: {  	_ =	swait.ge [sflag:s12], $0x2800  }
0x1b: {  	[sflag:s12] =	ssyncset.done $0x0  }
0x1c: {  	s17 =	simm.s32 $0x0;
	[sflag:s12] =	ssyncadd.s32 $0xFFFFD800  }
0x1d: {  	[tilespmem:s15], [sflag:$0x1] =	stream.indirect.gather [hbm4b:s4+s14], $0x80, s17, s14, $0xb8;
	[tilespmem:$0x1D000] =	vst v63  }
0x1e: {  	_ =	swait.ge [sflag:s12], $0x4000  }
0x1f: {  	[sflag:s12] =	ssyncset.done $0x0  }
0x20: {  	s31 =	simm.s32 $0x2800;
	[sflag:s12] =	ssyncadd.s32 $0xFFFFC000  }
0x21: {  	[spmem:s2] =	stream.indirect.scatter.add.f32 [tilespmem:s15], [sflag:$0x1], $0x80, s31, s14, $0xb8;
	[tilespmem:$0x1D000] =	vst v63  }
0x22: {  	_ =	swait.ge [sflag:s12], $0x4000  }
0x23: {  	s18 =	simm.s32 $0x400;
	s17 =	simm.s32 $0x200;
	[sflag:s12] =	ssyncset.done $0x0  }
.LBB2_2:
0x24: {  	s19 =	sshra.s32 s17, $0x2  }
0x25: {  	[sflag:s12] =	ssyncadd.s32 $0xFFFFC000;
	s17 =	smov.u32 s18;
	s20 =	sadd.s32 $0x200, s18  }
0x26: {  	[tilespmem:s15], [sflag:$0x1] =	stream.indirect.gather [hbm4b:s4+s14], $0x80, s19, s14, $0xb8;
	[tilespmem:$0x1D000] =	vst v63  }
0x27: {  	p0 =	sne.s32 s18, $0x9E00;
	_ =	swait.ge [sflag:s12], $0x4000  }
.Ltmp0:
0x28: {  	[sflag:s12] =	ssyncset.done $0x0;
	(pc) =	sbr.rel @p0 .LBB2_2-.Ltmp0, $4  }
0x29: {  	s18 =	sadd.s32 $0x2800, s19;
	[sflag:s12] =	ssyncadd.s32 $0xFFFFC000  }
0x2a: {  	[spmem:s2] =	stream.indirect.scatter.add.f32 [tilespmem:s15], [sflag:$0x1], $0x80, s18, s14, $0xb8;
	[tilespmem:$0x1D000] =	vst v63  }
0x2b: {  	_ =	swait.ge [sflag:s12], $0x4000  }
0x2c: {  	s18 =	smov.u32 s20;
	[sflag:s12] =	ssyncset.done $0x0  }
0x2d: {  	s17 =	sshra.s32 s17, $0x2;
	[sflag:s12] =	ssyncadd.s32 $0xFFFFC000  }
0x2e: {  	[tilespmem:s15], [sflag:$0x1] =	stream.indirect.gather [hbm4b:s4+s14], $0x80, s17, s14, $0xb8;
	[tilespmem:$0x1D000] =	vst v63  }
0x2f: {  	_ =	swait.ge [sflag:s12], $0x4000  }
0x30: {  	[sflag:s12] =	ssyncset.done $0x0  }
0x31: {  	s17 =	sadd.s32 $0x2800, s17;
	[sflag:s12] =	ssyncadd.s32 $0xFFFFC000  }
0x32: {  	[spmem:s2] =	stream.indirect.scatter.add.f32 [tilespmem:s15], [sflag:$0x1], $0x80, s17, s14, $0xb8;
	[tilespmem:$0x1D000] =	vst v63  }
0x33: {  	_ =	swait.ge [sflag:s12], $0x4000  }
0x34: {  	s16 =	sadd.s32 $0x1, s16;
	[sflag:s12] =	ssyncset.done $0x0  }
0x35: {  	p0 =	sne.s32 s16, s10;
	[sflag:s12] =	ssyncadd.s32 $0xFFFFC000  }
.Ltmp1:
0x36: {  	[bflag:$0x0] =	sbarrier.arrive $0xFFFF;
	(pc) =	sbr.rel @p0 .LBB2_1-.Ltmp1, $4  }
0x37: {  	[hbm:s9], [sflag:s6] =	dma.local [spmem:s11], $0x2800  }
0x38: {  	_ =	swait.ge [sflag:s12], $0x2800  }
0x39: {  	[sflag:s12] =	ssyncset.done $0x0  }
0x3a: {  	[sflag:s12] =	ssyncadd.s32 $0xFFFFD800  }
0x3b: {  	_ =	sfence.sel $0x180000  }
0x3c: {  	[bflag:$0x0] =	sbarrier.arrive $0xFFFF  }
0x3d: {  	p0 =	sne.s32 s0, $0x0;
	_ =	strace $0x9000004A  }
0x3e: {  	s0 =	sadd.s32 @!p0 $0x100000, s1;
	[bflag:$0x2] =	sbarrier.arrive $0xFFFF  }
0x3f: {  	[sflag:s0] =	ssyncadd.tile.s32 @!p0 $0x1;
	_ =	shalt  }
.Lfunc_end2:
_tile_overlayer_lowered:
.L_overlay_start_2:
0x40: {  	(tag) =	ssettag $0x2  }
0x41: {  	s0 =	rddreg [dreg:$0x0];
	s2 =	stileid.u32  }
0x42: {  	s1 =	rddreg [dreg:$0x1];
	p0 =	sne.s32 s2, $0x0  }
0x43: {  	s3 =	rddreg [dreg:$0x2];
	[bflag:$0x3] =	sbarrier.arrive $0xFFFF;
	s2 =	simm.s32 @!p0 $0x1C01  }
0x44: {  	[timem:s3], [sflag:s2] =	dma.local @!p0 [hbm:s0], s1  }
0x45: {  	s0 =	simm.s32 @!p0 $0x1  }
0x46: {  	_ =	swait.ge @!p0 [sflag:s0], s1  }
0x47: {  	s1 =	ssub.s32 @!p0 $0x0, s1;
	[sflag:s0] =	ssyncset.done @!p0 $0x0  }
0x48: {  	[sflag:s0] =	ssyncadd.s32 @!p0 s1  }
0x49: {  	[bflag:$0x3] =	sbarrier.arrive $0xFFFF  }
0x4a: {  	_ =	shalt  }

// kernel: kernel.15.cloned.1.call-start
scs
__scs_entry_jumppad:
0x0: {  	(pc) =	sbr.rel $0x88, $3  }
0x1: {  	(tag) =	ssettag $0x0;
	lr =	simm.s32 $0x1  }
0x2: {  	[smem:$0x3F96] =	sst lr;
	_ =	strace $0xD0000000  }
0x3: {  	_ = 	snop  }
0x4: {  	_ = 	snop  }
0x5: {  	_ = 	snop  }
0x6: {  	_ = 	snop  }
0x7: {  	_ = 	snop  }
__scs_overlays_trampoline_lowered:
0x8: {  	[smem:$0x3FA5] =	sst s0  }
0x9: {  	[smem:$0x3FA6] =	sst s1  }
0xa: {  	[smem:$0x3FA7] =	sst s2  }
0xb: {  	[smem:$0x3FA8] =	sst s3  }
0xc: {  	[smem:$0x3FA9] =	sst s4  }
0xd: {  	[smem:$0x3FAA] =	sst s5  }
0xe: {  	[smem:$0x3FAB] =	sst s6  }
0xf: {  	[smem:$0x3FAC] =	sst s7  }
0x10: {  	[smem:$0x3FAD] =	sst s8  }
0x11: {  	[smem:$0x3FAE] =	sst s9;
	s0 =	simm.s32 @!p0 $0x0  }
0x12: {  	s1 =	sld [smem:$0x3F94];
	s0 =	simm.s32 @p0 $0x1  }
0x13: {  	[smem:$0x3FAF] =	sst s0;
	s0 =	simm.s32 @!p1 $0x0  }
0x14: {  	s2 =	sld [smem:$0x3F93];
	s0 =	simm.s32 @p1 $0x1  }
0x15: {  	[smem:$0x3FB0] =	sst s0;
	s0 =	simm.s32 @!p2 $0x0  }
0x16: {  	s3 =	sld [smem:$0x3FDB];
	s0 =	simm.s32 @p2 $0x1  }
0x17: {  	s4 =	simm.s32 $0x1BF5;
	[smem:$0x3FB2] =	sst s0  }
0x18: {  	s0 =	sld [smem:$0x3F95];
	_ =	swait.ge [sflag:s4], $0x0  }
0x19: {  	s7 =	sld [smem:$0x3F96]  }
0x1a: {  	s8 =	sadd.s32 $0xFFFFE003, lr  }
0x1b: {  	s9 =	sadd.s32 $0xFFFFFEF7, lr;
	s5 =	simm.s32 $0xFFFFFFFF;
	p2 =	slt.u32 s8, $0xFFFFF086  }
0x1c: {  	p1 =	slt.u32 s9, $0xF7A;
	s5 =	simm.s32 @!p2 $0x0  }
0x1d: {  	s5 =	simm.s32 @p1 $0x1;
	p0 =	seq.s32 s7, s2  }
0x1e: {  	s7 =	smul.u32 @!p0 $0xF7A, s2;
	p2 =	seq.s32 @!p0 s5, $0x0  }
0x1f: {  	s9 =	smul.u32 $0xF7A, s1;
	s8 =	simm.s32 @!p0 $0x1BF5;
	p2 =	por !p2, p0  }
0x20: {  	[sflag:s8] =	ssyncset.s32 @!p0 $0xFFFFF086;
	s6 =	sadd.s32 @!p0 s3, s7;
	s7 =	simm.s32 @!p0 $0x108  }
0x21: {  	s3 =	sadd.s32 s3, s9;
	s6 =	sadd.s32 @!p0 $0x88, s6;
	s7 =	simm.s32 @p2 $0x1082  }
0x22: {  	[simem:s7], [sflag:s8] =	dma.local @!p0 [hbm:s6], $0xF7A  }
0x23: {  	s9 =	sor.u32 $0xD0000000, s2;
	s6 =	simm.s32 $0x108;
	_ =	swait.ge @!p0 [sflag:s8], $0x0  }
0x24: {  	s3 =	sadd.s32 $0x88, s3;
	s6 =	simm.s32 @!p1 $0x1082;
	[sflag:s4] =	ssyncset.s32 $0xFFFFF086  }
0x25: {  	[simem:s6], [sflag:s4] =	dma.local [hbm:s3], $0xF7A  }
0x26: {  	[smem:$0x3F96] =	sst s1;
	(tag) =	ssettag s2;
	_ =	strace s9  }
0x27: {  	s1 =	sld [smem:$0x3FA6]  }
0x28: {  	s2 =	sld [smem:$0x3FA7]  }
0x29: {  	s4 =	sld [smem:$0x3FA9]  }
0x2a: {  	p0 =	seq.s32 s5, $0x0;
	s5 =	sld [smem:$0x3FAA]  }
0x2b: {  	s6 =	sld [smem:$0x3FAB]  }
0x2c: {  	s7 =	sld [smem:$0x3FAC]  }
0x2d: {  	s3 =	simm.s32 $0x108;
	s8 =	sld [smem:$0x3FAD]  }
0x2e: {  	s3 =	simm.s32 @!p0 $0x1082;
	s9 =	sld [smem:$0x3FAE]  }
0x2f: {  	lr =	sadd.s32 s0, s3;
	s0 =	sld [smem:$0x3FA5]  }
0x30: {  	s3 =	sld [smem:$0x3FA8]  }
0x31: {  	[smem:$0x3FB1] =	sst s10  }
0x32: {  	s10 =	sld [smem:$0x3FAF];
	_ =	sdelay $0x3  }
0x33: {  	p0 =	seq.s32 s10, $0x1;
	s10 =	sld [smem:$0x3FB1];
	_ =	sdelay $0x3  }
0x34: {  	[smem:$0x3FB1] =	sst s10  }
0x35: {  	s10 =	sld [smem:$0x3FB0];
	_ =	sdelay $0x3  }
0x36: {  	p1 =	seq.s32 s10, $0x1;
	s10 =	sld [smem:$0x3FB1];
	_ =	sdelay $0x3  }
0x37: {  	[smem:$0x3FB1] =	sst s10  }
0x38: {  	s10 =	sld [smem:$0x3FB2]  }
0x39: {  	_ = 	snop;
	(pc) =	sbr.ind lr, $3  }
0x3a: {  	_ = 	snop  }
0x3b: {  	_ = 	snop  }
0x3c: {  	p2 =	seq.s32 s10, $0x1;
	s10 =	sld [smem:$0x3FB1]  }
0x3d: {  	_ =	shalt  }
0x3e: {  	_ =	shalt  }
0x3f: {  	_ =	shalt  }
0x40: {  	_ =	shalt  }
0x41: {  	_ =	shalt  }
0x42: {  	_ =	shalt  }
0x43: {  	_ =	shalt  }
0x44: {  	_ =	shalt  }
0x45: {  	_ =	shalt  }
0x46: {  	_ =	shalt  }
0x47: {  	_ =	shalt  }
0x48: {  	_ =	shalt  }
0x49: {  	_ =	shalt  }
0x4a: {  	_ =	shalt  }
0x4b: {  	_ =	shalt  }
0x4c: {  	_ =	shalt  }
0x4d: {  	_ =	shalt  }
0x4e: {  	_ =	shalt  }
0x4f: {  	_ =	shalt  }
0x50: {  	_ =	shalt  }
0x51: {  	_ =	shalt  }
0x52: {  	_ =	shalt  }
0x53: {  	_ =	shalt  }
0x54: {  	_ =	shalt  }
0x55: {  	_ =	shalt  }
0x56: {  	_ =	shalt  }
0x57: {  	_ =	shalt  }
0x58: {  	_ =	shalt  }
0x59: {  	_ =	shalt  }
0x5a: {  	_ =	shalt  }
0x5b: {  	_ =	shalt  }
0x5c: {  	_ =	shalt  }
0x5d: {  	_ =	shalt  }
0x5e: {  	_ =	shalt  }
0x5f: {  	_ =	shalt  }
0x60: {  	_ =	shalt  }
0x61: {  	_ =	shalt  }
0x62: {  	_ =	shalt  }
0x63: {  	_ =	shalt  }
0x64: {  	_ =	shalt  }
0x65: {  	_ =	shalt  }
0x66: {  	_ =	shalt  }
0x67: {  	_ =	shalt  }
0x68: {  	_ =	shalt  }
0x69: {  	_ =	shalt  }
0x6a: {  	_ =	shalt  }
0x6b: {  	_ =	shalt  }
0x6c: {  	_ =	shalt  }
0x6d: {  	_ =	shalt  }
0x6e: {  	_ =	shalt  }
0x6f: {  	_ =	shalt  }
0x70: {  	_ =	shalt  }
0x71: {  	_ =	shalt  }
0x72: {  	_ =	shalt  }
0x73: {  	_ =	shalt  }
0x74: {  	_ =	shalt  }
0x75: {  	_ =	shalt  }
0x76: {  	_ =	shalt  }
0x77: {  	_ =	shalt  }
0x78: {  	_ =	shalt  }
0x79: {  	_ =	shalt  }
0x7a: {  	_ =	shalt  }
0x7b: {  	_ =	shalt  }
0x7c: {  	_ =	shalt  }
0x7d: {  	_ =	shalt  }
0x7e: {  	_ =	shalt  }
0x7f: {  	_ =	shalt  }
0x80: {  	_ =	shalt  }
0x81: {  	_ =	shalt  }
0x82: {  	_ =	shalt  }
0x83: {  	_ =	shalt  }
0x84: {  	_ =	shalt  }
0x85: {  	_ =	shalt  }
0x86: {  	_ =	shalt  }
0x87: {  	_ =	shalt  }
.Lfunc_end0:
.L_simem_size_0:
called_computation.2_lowered:
.L_overlay_start_0:
0x88: {  	s2 =	sld [smem:$0x3FD9]  }
0x89: {  	s3 =	sld [smem:$0x3FFE];
	_ =	sdelay $0x1  }
0x8a: {  	s1 =	srdreg.scid  }
0x8b: {  	s0 =	sand.u32 $0x1, s1  }
0x8c: {  	s16 =	sshll.u32 s0, $0xA;
	s2 =	sadd.s32 s3, s2  }
0x8d: {  	s2 =	sadd.s32 s2, s16  }
0x8e: {  	[smem:$0x3FBD] =	sst s2  }
0x8f: {  	_ = 	snop  }
0x90: {  	(tm) =	ssettm $0x1  }
0x91: {  	s17 =	sld [smem:$0x3FFB];
	_ =	sdelay $0x3  }
0x92: {  	_ =	strace s17  }
0x93: {  	s2 =	sld [smem:$0x3FFC];
	_ =	sdelay $0x3  }
0x94: {  	_ =	strace s2  }
0x95: {  	s2 =	sld [smem:$0x3FFD];
	_ =	sdelay $0x3  }
0x96: {  	_ =	strace s2  }
0x97: {  	_ =	strace $0x8FFFFFFF  }
0x98: {  	s18 =	sld [smem:$0x3FDB];
	_ =	sdelay $0x1  }
0x99: {  	s19 =	simm.s32 $_scs_section_size  }
0x9a: {  	s4 =	simm.s32 $_size__tile_overlayer_lowered;
	s5 =	simm.s32 $_tile_overlayer_lowered  }
0x9b: {  	s22 =	simm.s32 $0x1BFF;
	s21 =	sshll.u32 s5, $0x1;
	s2 =	sadd.s32 s19, s18  }
0x9c: {  	s6 =	simm.s32 $0x0;
	s20 =	sshll.u32 s4, $0x1;
	s4 =	sadd.s32 s21, s2  }
0x9d: {  	[timem:s6], [sflag:s22] =	dma.local [hbm:s4], s20  }
0x9e: {  	_ =	swait.ge [sflag:s22], s20  }
0x9f: {  	s3 =	ssub.s32 $0x0, s20;
	[sflag:s22] =	ssyncset.done $0x0  }
0xa0: {  	[sflag:s22] =	ssyncadd.s32 s3;
	_ =	sdelay $0x1  }
0xa1: {  	s23 =	simm.s32 $0x1B8B  }
0xa2: {  	_ =	swait.ge [sflag:s23], $0x1  }
0xa3: {  	[sflag:s23] =	ssyncset.done $0x0  }
0xa4: {  	s25 =	simm.s32 $0x1B8E;
	s24 =	sld [smem:$0x3FFE];
	[sflag:s23] =	ssyncadd.s32 $0xFFFFFFFF  }
0xa5: {  	s26 =	simm.s32 $execute0_lowered;
	[smem:$0x3FD2] =	sst s25  }
0xa6: {  	s4 =	sshll.u32 s26, $0x1;
	_ =	strace $0x8000004C;
	[dreg:$0x1] =	wrdreg $0xFFFFFFFF  }
0xa7: {  	s28 =	simm.s32 $_size_execute0_lowered;
	s2 =	sadd.s32 s2, s4;
	[dreg:$0x0] =	wrdreg $0x0  }
0xa8: {  	s4 =	sshll.u32 s28, $0x1;
	[dreg:$0x2] =	wrdreg s2  }
0xa9: {  	[dreg:$0x3] =	wrdreg s4  }
0xaa: {  	[dreg:$0x4] =	wrdreg $0xC0  }
0xab: {  	_ =	task [dreg:s6], $0x5FFFF  }
0xac: {  	[dreg:$0x1] =	wrdreg $0xFFFFFFFF  }
0xad: {  	[dreg:$0x0] =	wrdreg $0x60  }
0xae: {  	[dreg:$0x2] =	wrdreg s24  }
0xaf: {  	[dreg:$0x3] =	wrdreg $0x90000  }
0xb0: {  	[dreg:$0x4] =	wrdreg $0x9  }
0xb1: {  	_ =	task.clear_ibuf [dreg:s6], $0x5FFFF;
	_ =	strace $0x9000004C  }
0xb2: {  	s29 =	simm.s32 $0x9;
	_ =	strace $0x8000004E  }
0xb3: {  	_ =	swait.ge [sflag:s29], $0x1  }
0xb4: {  	[sflag:s29] =	ssyncadd.s32 $0xFFFFFFFF  }
0xb5: {  	_ =	strace $0x9000004E  }
0xb6: {  	_ =	sfence  }
0xb7: {  	s30 =	sld [smem:$0x0];
	_ =	sdelay $0x2  }
0xb8: {  	s31 =	sshll.u32 s1, $0xD;
	s1 =	sshrl.u32 s1, $0x2  }
0xb9: {  	s3 =	sand.u32 $0x4000, s31;
	s1 =	sadd.s32 s1, s30  }
0xba: {  	s0 =	sor.u32 s3, s0;
	s1 =	sshll.u32 s1, $0x11  }
0xbb: {  	s0 =	sor.u32 s1, s0  }
0xbc: {  	s0 =	sadd.s32 $0x8F2B, s0  }
0xbd: {  	[sflag:s0] =	ssyncadd.remote.s32 $0x1  }
0xbe: {  	_ =	sfence.sel $0xFFFF  }
0xbf: {  	[dreg:$0x0] =	wrdreg $0xFFFFFFFF;
	(pc) =	sbr.abs _section_cstart, $3  }
0xc0: {  	[dreg:$0x1] =	wrdreg $0xFFFFFFFF  }
0xc1: {  	_ =	task.clear_ibuf [dreg:s6], $0x2FFFF;
	_ =	strace $0x9FFFFFFF  }
0xc2: {  	(tm) =	ssettm $0x7FFFFFFF  }
0xc3: {  	_ =	shalt  }
tec
execute0_lowered:
.L_overlay_start_1:
0x0: {  	(tag) =	ssettag $0x1  }
0x1: {  	s6 =	rddreg [dreg:$0x0]  }
0x2: {  	s1 =	srdreg.scid;
	s0 =	stileid.u32  }
0x3: {  	s2 =	rddreg [dreg:$0x1];
	s7 =	smul.u32 $0x2800, s0  }
0x4: {  	s3 =	simm.s32 $0x0;
	s15 =	simm.s32 $0x5000;
	s10 =	smul.u32 $0x14000, s0  }
0x5: {  	s5 =	sand.u32 $0x1, s1;
	s1 =	rddreg [dreg:$0x2];
	s28 =	smul.u32 $0x50000, s0  }
0x6: {  	s16 =	simm.s32 $0x0;
	[smem:$0x7FF] =	sst s3;
	s4 =	smul.u32 $0x28000, s5  }
0x7: {  	s31 =	sshll.u32 s0, $0x6;
	s8 =	smul.u32 $0x140000, s5;
	s26 =	ssub.s32 $0x2, s5  }
0x8: {  	_ =	strace $0x8000004D;
	s5 =	sadd.s32 $0x55400, s6;
	s29 =	sshrl.u32 s26, $0x1  }
0x9: {  	s30 =	sshrl.u32 s28, $0x2;
	s9 =	sadd.s32 s7, s4;
	s4 =	sadd.s32 $0x7200, s6  }
0xa: {  	s7 =	sshrl.u32 s7, $0x3;
	s25 =	sadd.s32 s10, s8;
	s13 =	ssub.s32 s26, s29  }
0xb: {  	s14 =	sadd.s32 s30, s2;
	s9 =	sshrl.u32 s9, $0x3;
	s11 =	sadd.s32 s7, s6  }
0xc: {  	s7 =	sshrl.u32 s25, $0x3;
	s10 =	smax.u32 s13, $0x1;
	s13 =	simm.s32 $0x2800  }
0xd: {  	s9 =	sadd.s32 s9, s6;
	s12 =	sadd.s32 s7, s6;
	s6 =	sor.u32 $0x1C01, s31  }
0xe: {  	s8 =	sadd.s32 $0x2200, s11;
	s11 =	sshrl.u32 s14, $0x3;
	s14 =	simm.s32 $0x80  }
0xf: {  	s7 =	sadd.s32 $0x59E00, s9;
	s9 =	sadd.s32 $0x63E00, s12;
	s12 =	simm.s32 $0x1  }
.LBB2_1:
0x10: {  	[spmem:s11], [sflag:s6] =	dma.local [hbm:s5], $0x2800  }
0x11: {  	_ =	swait.ge [sflag:s12], $0x2800  }
0x12: {  	[sflag:s12] =	ssyncset.done $0x0  }
0x13: {  	[sflag:s12] =	ssyncadd.s32 $0xFFFFD800  }
0x14: {  	[bflag:$0x0] =	sbarrier.arrive $0xFFFF  }
0x15: {  	[tilespmem:s3], [sflag:$0x1] =	stream.linear.gather [hbm4b:s7+s3], $0x2800, $0x38;
	[tilespmem:$0x1D000] =	vst v63  }
0x16: {  	_ =	swait.ge [sflag:s12], $0x2800  }
0x17: {  	[sflag:s12] =	ssyncset.done $0x0  }
0x18: {  	[sflag:s12] =	ssyncadd.s32 $0xFFFFD800  }
0x19: {  	[tilespmem:s13], [sflag:$0x1] =	stream.linear.gather [hbm4b:s8+s3], $0x2800, $0x38;
	[tilespmem:$0x1D000] =	vst v63  }
0x1a: {  	_ =	swait.ge [sflag:s12], $0x2800  }
0x1b: {  	[sflag:s12] =	ssyncset.done $0x0  }
0x1c: {  	s17 =	simm.s32 $0x0;
	[sflag:s12] =	ssyncadd.s32 $0xFFFFD800  }
0x1d: {  	[tilespmem:s15], [sflag:$0x1] =	stream.indirect.gather [hbm4b:s4+s14], $0x80, s17, s14, $0xb8;
	[tilespmem:$0x1D000] =	vst v63  }
0x1e: {  	_ =	swait.ge [sflag:s12], $0x4000  }
0x1f: {  	[sflag:s12] =	ssyncset.done $0x0  }
0x20: {  	s31 =	simm.s32 $0x2800;
	[sflag:s12] =	ssyncadd.s32 $0xFFFFC000  }
0x21: {  	[spmem:s2] =	stream.indirect.scatter.add.f32 [tilespmem:s15], [sflag:$0x1], $0x80, s31, s14, $0xb8;
	[tilespmem:$0x1D000] =	vst v63  }
0x22: {  	_ =	swait.ge [sflag:s12], $0x4000  }
0x23: {  	s18 =	simm.s32 $0x400;
	s17 =	simm.s32 $0x200;
	[sflag:s12] =	ssyncset.done $0x0  }
.LBB2_2:
0x24: {  	s19 =	sshra.s32 s17, $0x2  }
0x25: {  	[sflag:s12] =	ssyncadd.s32 $0xFFFFC000;
	s17 =	smov.u32 s18;
	s20 =	sadd.s32 $0x200, s18  }
0x26: {  	[tilespmem:s15], [sflag:$0x1] =	stream.indirect.gather [hbm4b:s4+s14], $0x80, s19, s14, $0xb8;
	[tilespmem:$0x1D000] =	vst v63  }
0x27: {  	p0 =	sne.s32 s18, $0x9E00;
	_ =	swait.ge [sflag:s12], $0x4000  }
.Ltmp0:
0x28: {  	[sflag:s12] =	ssyncset.done $0x0;
	(pc) =	sbr.rel @p0 .LBB2_2-.Ltmp0, $4  }
0x29: {  	s18 =	sadd.s32 $0x2800, s19;
	[sflag:s12] =	ssyncadd.s32 $0xFFFFC000  }
0x2a: {  	[spmem:s2] =	stream.indirect.scatter.add.f32 [tilespmem:s15], [sflag:$0x1], $0x80, s18, s14, $0xb8;
	[tilespmem:$0x1D000] =	vst v63  }
0x2b: {  	_ =	swait.ge [sflag:s12], $0x4000  }
0x2c: {  	s18 =	smov.u32 s20;
	[sflag:s12] =	ssyncset.done $0x0  }
0x2d: {  	s17 =	sshra.s32 s17, $0x2;
	[sflag:s12] =	ssyncadd.s32 $0xFFFFC000  }
0x2e: {  	[tilespmem:s15], [sflag:$0x1] =	stream.indirect.gather [hbm4b:s4+s14], $0x80, s17, s14, $0xb8;
	[tilespmem:$0x1D000] =	vst v63  }
0x2f: {  	_ =	swait.ge [sflag:s12], $0x4000  }
0x30: {  	[sflag:s12] =	ssyncset.done $0x0  }
0x31: {  	s17 =	sadd.s32 $0x2800, s17;
	[sflag:s12] =	ssyncadd.s32 $0xFFFFC000  }
0x32: {  	[spmem:s2] =	stream.indirect.scatter.add.f32 [tilespmem:s15], [sflag:$0x1], $0x80, s17, s14, $0xb8;
	[tilespmem:$0x1D000] =	vst v63  }
0x33: {  	_ =	swait.ge [sflag:s12], $0x4000  }
0x34: {  	s16 =	sadd.s32 $0x1, s16;
	[sflag:s12] =	ssyncset.done $0x0  }
0x35: {  	p0 =	sne.s32 s16, s10;
	[sflag:s12] =	ssyncadd.s32 $0xFFFFC000  }
.Ltmp1:
0x36: {  	[bflag:$0x0] =	sbarrier.arrive $0xFFFF;
	(pc) =	sbr.rel @p0 .LBB2_1-.Ltmp1, $4  }
0x37: {  	[hbm:s9], [sflag:s6] =	dma.local [spmem:s11], $0x2800  }
0x38: {  	_ =	swait.ge [sflag:s12], $0x2800  }
0x39: {  	[sflag:s12] =	ssyncset.done $0x0  }
0x3a: {  	[sflag:s12] =	ssyncadd.s32 $0xFFFFD800  }
0x3b: {  	_ =	sfence.sel $0x180000  }
0x3c: {  	[bflag:$0x0] =	sbarrier.arrive $0xFFFF  }
0x3d: {  	p0 =	sne.s32 s0, $0x0;
	_ =	strace $0x9000004D  }
0x3e: {  	s0 =	sadd.s32 @!p0 $0x100000, s1;
	[bflag:$0x2] =	sbarrier.arrive $0xFFFF  }
0x3f: {  	[sflag:s0] =	ssyncadd.tile.s32 @!p0 $0x1;
	_ =	shalt  }
.Lfunc_end2:
_tile_overlayer_lowered:
.L_overlay_start_2:
0x40: {  	(tag) =	ssettag $0x2  }
0x41: {  	s0 =	rddreg [dreg:$0x0];
	s2 =	stileid.u32  }
0x42: {  	s1 =	rddreg [dreg:$0x1];
	p0 =	sne.s32 s2, $0x0  }
0x43: {  	s3 =	rddreg [dreg:$0x2];
	[bflag:$0x3] =	sbarrier.arrive $0xFFFF;
	s2 =	simm.s32 @!p0 $0x1C01  }
0x44: {  	[timem:s3], [sflag:s2] =	dma.local @!p0 [hbm:s0], s1  }
0x45: {  	s0 =	simm.s32 @!p0 $0x1  }
0x46: {  	_ =	swait.ge @!p0 [sflag:s0], s1  }
0x47: {  	s1 =	ssub.s32 @!p0 $0x0, s1;
	[sflag:s0] =	ssyncset.done @!p0 $0x0  }
0x48: {  	[sflag:s0] =	ssyncadd.s32 @!p0 s1  }
0x49: {  	[bflag:$0x3] =	sbarrier.arrive $0xFFFF  }
0x4a: {  	_ =	shalt  }

// kernel: kernel.9.cloned.1.call-start
scs
__scs_entry_jumppad:
0x0: {  	(pc) =	sbr.rel $0x88, $3  }
0x1: {  	(tag) =	ssettag $0x0;
	lr =	simm.s32 $0x1  }
0x2: {  	[smem:$0x3F96] =	sst lr;
	_ =	strace $0xD0000000  }
0x3: {  	_ = 	snop  }
0x4: {  	_ = 	snop  }
0x5: {  	_ = 	snop  }
0x6: {  	_ = 	snop  }
0x7: {  	_ = 	snop  }
__scs_overlays_trampoline_lowered:
0x8: {  	[smem:$0x3FA5] =	sst s0  }
0x9: {  	[smem:$0x3FA6] =	sst s1  }
0xa: {  	[smem:$0x3FA7] =	sst s2  }
0xb: {  	[smem:$0x3FA8] =	sst s3  }
0xc: {  	[smem:$0x3FA9] =	sst s4  }
0xd: {  	[smem:$0x3FAA] =	sst s5  }
0xe: {  	[smem:$0x3FAB] =	sst s6  }
0xf: {  	[smem:$0x3FAC] =	sst s7  }
0x10: {  	[smem:$0x3FAD] =	sst s8  }
0x11: {  	[smem:$0x3FAE] =	sst s9;
	s0 =	simm.s32 @!p0 $0x0  }
0x12: {  	s1 =	sld [smem:$0x3F94];
	s0 =	simm.s32 @p0 $0x1  }
0x13: {  	[smem:$0x3FAF] =	sst s0;
	s0 =	simm.s32 @!p1 $0x0  }
0x14: {  	s2 =	sld [smem:$0x3F93];
	s0 =	simm.s32 @p1 $0x1  }
0x15: {  	[smem:$0x3FB0] =	sst s0;
	s0 =	simm.s32 @!p2 $0x0  }
0x16: {  	s3 =	sld [smem:$0x3FDB];
	s0 =	simm.s32 @p2 $0x1  }
0x17: {  	s4 =	simm.s32 $0x1BF5;
	[smem:$0x3FB2] =	sst s0  }
0x18: {  	s0 =	sld [smem:$0x3F95];
	_ =	swait.ge [sflag:s4], $0x0  }
0x19: {  	s7 =	sld [smem:$0x3F96]  }
0x1a: {  	s8 =	sadd.s32 $0xFFFFE003, lr  }
0x1b: {  	s9 =	sadd.s32 $0xFFFFFEF7, lr;
	s5 =	simm.s32 $0xFFFFFFFF;
	p2 =	slt.u32 s8, $0xFFFFF086  }
0x1c: {  	p1 =	slt.u32 s9, $0xF7A;
	s5 =	simm.s32 @!p2 $0x0  }
0x1d: {  	s5 =	simm.s32 @p1 $0x1;
	p0 =	seq.s32 s7, s2  }
0x1e: {  	s7 =	smul.u32 @!p0 $0xF7A, s2;
	p2 =	seq.s32 @!p0 s5, $0x0  }
0x1f: {  	s9 =	smul.u32 $0xF7A, s1;
	s8 =	simm.s32 @!p0 $0x1BF5;
	p2 =	por !p2, p0  }
0x20: {  	[sflag:s8] =	ssyncset.s32 @!p0 $0xFFFFF086;
	s6 =	sadd.s32 @!p0 s3, s7;
	s7 =	simm.s32 @!p0 $0x108  }
0x21: {  	s3 =	sadd.s32 s3, s9;
	s6 =	sadd.s32 @!p0 $0x88, s6;
	s7 =	simm.s32 @p2 $0x1082  }
0x22: {  	[simem:s7], [sflag:s8] =	dma.local @!p0 [hbm:s6], $0xF7A  }
0x23: {  	s9 =	sor.u32 $0xD0000000, s2;
	s6 =	simm.s32 $0x108;
	_ =	swait.ge @!p0 [sflag:s8], $0x0  }
0x24: {  	s3 =	sadd.s32 $0x88, s3;
	s6 =	simm.s32 @!p1 $0x1082;
	[sflag:s4] =	ssyncset.s32 $0xFFFFF086  }
0x25: {  	[simem:s6], [sflag:s4] =	dma.local [hbm:s3], $0xF7A  }
0x26: {  	[smem:$0x3F96] =	sst s1;
	(tag) =	ssettag s2;
	_ =	strace s9  }
0x27: {  	s1 =	sld [smem:$0x3FA6]  }
0x28: {  	s2 =	sld [smem:$0x3FA7]  }
0x29: {  	s4 =	sld [smem:$0x3FA9]  }
0x2a: {  	p0 =	seq.s32 s5, $0x0;
	s5 =	sld [smem:$0x3FAA]  }
0x2b: {  	s6 =	sld [smem:$0x3FAB]  }
0x2c: {  	s7 =	sld [smem:$0x3FAC]  }
0x2d: {  	s3 =	simm.s32 $0x108;
	s8 =	sld [smem:$0x3FAD]  }
0x2e: {  	s3 =	simm.s32 @!p0 $0x1082;
	s9 =	sld [smem:$0x3FAE]  }
0x2f: {  	lr =	sadd.s32 s0, s3;
	s0 =	sld [smem:$0x3FA5]  }
0x30: {  	s3 =	sld [smem:$0x3FA8]  }
0x31: {  	[smem:$0x3FB1] =	sst s10  }
0x32: {  	s10 =	sld [smem:$0x3FAF];
	_ =	sdelay $0x3  }
0x33: {  	p0 =	seq.s32 s10, $0x1;
	s10 =	sld [smem:$0x3FB1];
	_ =	sdelay $0x3  }
0x34: {  	[smem:$0x3FB1] =	sst s10  }
0x35: {  	s10 =	sld [smem:$0x3FB0];
	_ =	sdelay $0x3  }
0x36: {  	p1 =	seq.s32 s10, $0x1;
	s10 =	sld [smem:$0x3FB1];
	_ =	sdelay $0x3  }
0x37: {  	[smem:$0x3FB1] =	sst s10  }
0x38: {  	s10 =	sld [smem:$0x3FB2]  }
0x39: {  	_ = 	snop;
	(pc) =	sbr.ind lr, $3  }
0x3a: {  	_ = 	snop  }
0x3b: {  	_ = 	snop  }
0x3c: {  	p2 =	seq.s32 s10, $0x1;
	s10 =	sld [smem:$0x3FB1]  }
0x3d: {  	_ =	shalt  }
0x3e: {  	_ =	shalt  }
0x3f: {  	_ =	shalt  }
0x40: {  	_ =	shalt  }
0x41: {  	_ =	shalt  }
0x42: {  	_ =	shalt  }
0x43: {  	_ =	shalt  }
0x44: {  	_ =	shalt  }
0x45: {  	_ =	shalt  }
0x46: {  	_ =	shalt  }
0x47: {  	_ =	shalt  }
0x48: {  	_ =	shalt  }
0x49: {  	_ =	shalt  }
0x4a: {  	_ =	shalt  }
0x4b: {  	_ =	shalt  }
0x4c: {  	_ =	shalt  }
0x4d: {  	_ =	shalt  }
0x4e: {  	_ =	shalt  }
0x4f: {  	_ =	shalt  }
0x50: {  	_ =	shalt  }
0x51: {  	_ =	shalt  }
0x52: {  	_ =	shalt  }
0x53: {  	_ =	shalt  }
0x54: {  	_ =	shalt  }
0x55: {  	_ =	shalt  }
0x56: {  	_ =	shalt  }
0x57: {  	_ =	shalt  }
0x58: {  	_ =	shalt  }
0x59: {  	_ =	shalt  }
0x5a: {  	_ =	shalt  }
0x5b: {  	_ =	shalt  }
0x5c: {  	_ =	shalt  }
0x5d: {  	_ =	shalt  }
0x5e: {  	_ =	shalt  }
0x5f: {  	_ =	shalt  }
0x60: {  	_ =	shalt  }
0x61: {  	_ =	shalt  }
0x62: {  	_ =	shalt  }
0x63: {  	_ =	shalt  }
0x64: {  	_ =	shalt  }
0x65: {  	_ =	shalt  }
0x66: {  	_ =	shalt  }
0x67: {  	_ =	shalt  }
0x68: {  	_ =	shalt  }
0x69: {  	_ =	shalt  }
0x6a: {  	_ =	shalt  }
0x6b: {  	_ =	shalt  }
0x6c: {  	_ =	shalt  }
0x6d: {  	_ =	shalt  }
0x6e: {  	_ =	shalt  }
0x6f: {  	_ =	shalt  }
0x70: {  	_ =	shalt  }
0x71: {  	_ =	shalt  }
0x72: {  	_ =	shalt  }
0x73: {  	_ =	shalt  }
0x74: {  	_ =	shalt  }
0x75: {  	_ =	shalt  }
0x76: {  	_ =	shalt  }
0x77: {  	_ =	shalt  }
0x78: {  	_ =	shalt  }
0x79: {  	_ =	shalt  }
0x7a: {  	_ =	shalt  }
0x7b: {  	_ =	shalt  }
0x7c: {  	_ =	shalt  }
0x7d: {  	_ =	shalt  }
0x7e: {  	_ =	shalt  }
0x7f: {  	_ =	shalt  }
0x80: {  	_ =	shalt  }
0x81: {  	_ =	shalt  }
0x82: {  	_ =	shalt  }
0x83: {  	_ =	shalt  }
0x84: {  	_ =	shalt  }
0x85: {  	_ =	shalt  }
0x86: {  	_ =	shalt  }
0x87: {  	_ =	shalt  }
.Lfunc_end0:
.L_simem_size_0:
called_computation_lowered:
.L_overlay_start_0:
0x88: {  	s2 =	sld [smem:$0x3FD9]  }
0x89: {  	s3 =	sld [smem:$0x3FFE];
	_ =	sdelay $0x1  }
0x8a: {  	s1 =	srdreg.scid  }
0x8b: {  	s0 =	sand.u32 $0x1, s1  }
0x8c: {  	s16 =	sshll.u32 s0, $0xA;
	s2 =	sadd.s32 s3, s2  }
0x8d: {  	s2 =	sadd.s32 s2, s16  }
0x8e: {  	[smem:$0x3FBD] =	sst s2  }
0x8f: {  	_ = 	snop  }
0x90: {  	(tm) =	ssettm $0x1  }
0x91: {  	s17 =	sld [smem:$0x3FFB];
	_ =	sdelay $0x3  }
0x92: {  	_ =	strace s17  }
0x93: {  	s2 =	sld [smem:$0x3FFC];
	_ =	sdelay $0x3  }
0x94: {  	_ =	strace s2  }
0x95: {  	s2 =	sld [smem:$0x3FFD];
	_ =	sdelay $0x3  }
0x96: {  	_ =	strace s2  }
0x97: {  	_ =	strace $0x8FFFFFFF  }
0x98: {  	s18 =	sld [smem:$0x3FDB];
	_ =	sdelay $0x1  }
0x99: {  	s19 =	simm.s32 $_scs_section_size  }
0x9a: {  	s4 =	simm.s32 $_size__tile_overlayer_lowered;
	s5 =	simm.s32 $_tile_overlayer_lowered  }
0x9b: {  	s22 =	simm.s32 $0x1BFF;
	s21 =	sshll.u32 s5, $0x1;
	s2 =	sadd.s32 s19, s18  }
0x9c: {  	s6 =	simm.s32 $0x0;
	s20 =	sshll.u32 s4, $0x1;
	s4 =	sadd.s32 s21, s2  }
0x9d: {  	[timem:s6], [sflag:s22] =	dma.local [hbm:s4], s20  }
0x9e: {  	_ =	swait.ge [sflag:s22], s20  }
0x9f: {  	s3 =	ssub.s32 $0x0, s20;
	[sflag:s22] =	ssyncset.done $0x0  }
0xa0: {  	[sflag:s22] =	ssyncadd.s32 s3;
	_ =	sdelay $0x1  }
0xa1: {  	s23 =	simm.s32 $0x1B8B  }
0xa2: {  	_ =	swait.ge [sflag:s23], $0x1  }
0xa3: {  	[sflag:s23] =	ssyncset.done $0x0  }
0xa4: {  	s25 =	simm.s32 $0x1B8E;
	s24 =	sld [smem:$0x3FFE];
	[sflag:s23] =	ssyncadd.s32 $0xFFFFFFFF  }
0xa5: {  	s26 =	simm.s32 $execute0_lowered;
	[smem:$0x3FD2] =	sst s25  }
0xa6: {  	s4 =	sshll.u32 s26, $0x1;
	_ =	strace $0x80000046;
	[dreg:$0x1] =	wrdreg $0xFFFFFFFF  }
0xa7: {  	s28 =	simm.s32 $_size_execute0_lowered;
	s2 =	sadd.s32 s2, s4;
	[dreg:$0x0] =	wrdreg $0x0  }
0xa8: {  	s4 =	sshll.u32 s28, $0x1;
	[dreg:$0x2] =	wrdreg s2  }
0xa9: {  	[dreg:$0x3] =	wrdreg s4  }
0xaa: {  	[dreg:$0x4] =	wrdreg $0xC0  }
0xab: {  	_ =	task [dreg:s6], $0x5FFFF  }
0xac: {  	[dreg:$0x1] =	wrdreg $0xFFFFFFFF  }
0xad: {  	[dreg:$0x0] =	wrdreg $0x60  }
0xae: {  	[dreg:$0x2] =	wrdreg s24  }
0xaf: {  	[dreg:$0x3] =	wrdreg $0x20800  }
0xb0: {  	[dreg:$0x4] =	wrdreg $0x9  }
0xb1: {  	_ =	task.clear_ibuf [dreg:s6], $0x5FFFF;
	_ =	strace $0x90000046  }
0xb2: {  	s29 =	simm.s32 $0x9;
	_ =	strace $0x80000048  }
0xb3: {  	_ =	swait.ge [sflag:s29], $0x1  }
0xb4: {  	[sflag:s29] =	ssyncadd.s32 $0xFFFFFFFF  }
0xb5: {  	_ =	strace $0x90000048  }
0xb6: {  	_ =	sfence  }
0xb7: {  	s30 =	sld [smem:$0x0];
	_ =	sdelay $0x2  }
0xb8: {  	s31 =	sshll.u32 s1, $0xD;
	s1 =	sshrl.u32 s1, $0x2  }
0xb9: {  	s3 =	sand.u32 $0x4000, s31;
	s1 =	sadd.s32 s1, s30  }
0xba: {  	s0 =	sor.u32 s3, s0;
	s1 =	sshll.u32 s1, $0x11  }
0xbb: {  	s0 =	sor.u32 s1, s0  }
0xbc: {  	s0 =	sadd.s32 $0x8F2B, s0  }
0xbd: {  	[sflag:s0] =	ssyncadd.remote.s32 $0x1  }
0xbe: {  	_ =	sfence.sel $0xFFFF  }
0xbf: {  	[dreg:$0x0] =	wrdreg $0xFFFFFFFF;
	(pc) =	sbr.abs _section_cstart, $3  }
0xc0: {  	[dreg:$0x1] =	wrdreg $0xFFFFFFFF  }
0xc1: {  	_ =	task.clear_ibuf [dreg:s6], $0x2FFFF;
	_ =	strace $0x9FFFFFFF  }
0xc2: {  	(tm) =	ssettm $0x7FFFFFFF  }
0xc3: {  	_ =	shalt  }
tec
execute0_lowered:
.L_overlay_start_1:
0x0: {  	(tag) =	ssettag $0x1  }
0x1: {  	s6 =	rddreg [dreg:$0x0]  }
0x2: {  	s0 =	srdreg.scid;
	s2 =	rddreg [dreg:$0x1]  }
0x3: {  	s1 =	rddreg [dreg:$0x2];
	s7 =	sand.u32 $0x1, s0  }
0x4: {  	s0 =	stileid.u32;
	s4 =	smul.u32 $0x14000, s7  }
0x5: {  	s3 =	simm.s32 $0x0;
	s12 =	simm.s32 $0x80;
	s5 =	smul.u32 $0x1400, s0  }
0x6: {  	s13 =	simm.s32 $0x40;
	[smem:$0x7FF] =	sst s3;
	s29 =	smul.u32 $0x140000, s7  }
0x7: {  	s14 =	simm.s32 $0x0;
	s8 =	smul.u32 $0x14000, s0;
	_ =	strace $0x80000047  }
0x8: {  	s10 =	smul.u32 $0x50000, s0;
	s7 =	ssub.s32 $0x2, s7;
	s31 =	sshll.u32 s0, $0x6  }
0x9: {  	s30 =	sshrl.u32 s7, $0x1;
	s4 =	sadd.s32 s5, s4;
	s8 =	sadd.s32 s8, s29  }
0xa: {  	s5 =	sadd.s32 $0x7600, s6;
	s10 =	sshrl.u32 s10, $0x2;
	s11 =	ssub.s32 s7, s30  }
0xb: {  	s4 =	sshrl.u32 s4, $0x3;
	s8 =	sshrl.u32 s8, $0x3;
	s10 =	sadd.s32 s10, s2  }
0xc: {  	s9 =	sadd.s32 s4, s6;
	s4 =	sadd.s32 $0x7200, s6;
	s8 =	sadd.s32 s8, s6  }
0xd: {  	s6 =	sor.u32 $0x1C01, s31;
	s10 =	sshrl.u32 s10, $0x3;
	s7 =	sadd.s32 $0x9E00, s8  }
0xe: {  	s8 =	smax.u32 s11, $0x1;
	s9 =	sadd.s32 $0x2200, s9;
	s11 =	simm.s32 $0x1  }
.LBB2_1:
0xf: {  	[spmem:s10], [sflag:s6] =	dma.local [hbm:s5], $0x2800  }
0x10: {  	_ =	swait.ge [sflag:s11], $0x2800  }
0x11: {  	[sflag:s11] =	ssyncset.done $0x0  }
0x12: {  	[sflag:s11] =	ssyncadd.s32 $0xFFFFD800  }
0x13: {  	[tilespmem:s12], [sflag:$0x1] =	stream.linear.gather [hbm4b:s4+s3], $0x2000, $0x38;
	[tilespmem:$0x4880] =	vst v63  }
0x14: {  	_ =	swait.ge [sflag:s11], $0x2000  }
0x15: {  	[sflag:s11] =	ssyncset.done $0x0  }
0x16: {  	[sflag:s11] =	ssyncadd.s32 $0xFFFFE000  }
0x17: {  	s15 =	sadd.s32 $0x0, s9;
	[bflag:$0x0] =	sbarrier.arrive $0xFFFF  }
0x18: {  	[tilespmem:s3], [sflag:$0x1] =	stream.linear.gather [hbm4b:s15+s3], $0x40, $0x38;
	[tilespmem:$0x4880] =	vst v63  }
0x19: {  	_ =	swait.ge [sflag:s11], $0x40  }
0x1a: {  	[sflag:s11] =	ssyncset.done $0x0  }
0x1b: {  	[sflag:s11] =	ssyncadd.s32 $0xFFFFFFC0  }
0x1c: {  	[spmem:s2] =	stream.indirect.scatter.add.f32 [tilespmem:s12], [sflag:$0x1], $0x10, s3, s13, $0xb8;
	[tilespmem:$0x4880] =	vst v63  }
0x1d: {  	_ =	swait.ge [sflag:s11], $0x400  }
0x1e: {  	s16 =	simm.s32 $0x10;
	s15 =	simm.s32 $0x8;
	[sflag:s11] =	ssyncset.done $0x0  }
.LBB2_2:
0x1f: {  	s17 =	sadd.s32 s15, s9  }
0x20: {  	[sflag:s11] =	ssyncadd.s32 $0xFFFFFC00;
	s15 =	smov.u32 s16;
	s18 =	sadd.s32 $0x8, s16  }
0x21: {  	[tilespmem:s3], [sflag:$0x1] =	stream.linear.gather [hbm4b:s17+s3], $0x40, $0x38;
	[tilespmem:$0x4880] =	vst v63  }
0x22: {  	p0 =	sne.s32 s16, $0x278;
	_ =	swait.ge [sflag:s11], $0x40  }
.Ltmp0:
0x23: {  	[sflag:s11] =	ssyncset.done $0x0;
	(pc) =	sbr.rel @p0 .LBB2_2-.Ltmp0, $4  }
0x24: {  	[sflag:s11] =	ssyncadd.s32 $0xFFFFFFC0  }
0x25: {  	[spmem:s2] =	stream.indirect.scatter.add.f32 [tilespmem:s12], [sflag:$0x1], $0x10, s3, s13, $0xb8;
	[tilespmem:$0x4880] =	vst v63  }
0x26: {  	_ =	swait.ge [sflag:s11], $0x400  }
0x27: {  	s16 =	smov.u32 s18;
	[sflag:s11] =	ssyncset.done $0x0  }
0x28: {  	s15 =	sadd.s32 s15, s9;
	[sflag:s11] =	ssyncadd.s32 $0xFFFFFC00  }
0x29: {  	[tilespmem:s3], [sflag:$0x1] =	stream.linear.gather [hbm4b:s15+s3], $0x40, $0x38;
	[tilespmem:$0x4880] =	vst v63  }
0x2a: {  	_ =	swait.ge [sflag:s11], $0x40  }
0x2b: {  	[sflag:s11] =	ssyncset.done $0x0  }
0x2c: {  	[sflag:s11] =	ssyncadd.s32 $0xFFFFFFC0  }
0x2d: {  	[spmem:s2] =	stream.indirect.scatter.add.f32 [tilespmem:s12], [sflag:$0x1], $0x10, s3, s13, $0xb8;
	[tilespmem:$0x4880] =	vst v63  }
0x2e: {  	_ =	swait.ge [sflag:s11], $0x400  }
0x2f: {  	s14 =	sadd.s32 $0x1, s14;
	[sflag:s11] =	ssyncset.done $0x0  }
0x30: {  	p0 =	sne.s32 s14, s8;
	[sflag:s11] =	ssyncadd.s32 $0xFFFFFC00  }
.Ltmp1:
0x31: {  	[bflag:$0x0] =	sbarrier.arrive $0xFFFF;
	(pc) =	sbr.rel @p0 .LBB2_1-.Ltmp1, $4  }
0x32: {  	[hbm:s7], [sflag:s6] =	dma.local [spmem:s10], $0x2800  }
0x33: {  	_ =	swait.ge [sflag:s11], $0x2800  }
0x34: {  	[sflag:s11] =	ssyncset.done $0x0  }
0x35: {  	[sflag:s11] =	ssyncadd.s32 $0xFFFFD800  }
0x36: {  	_ =	sfence.sel $0x180000  }
0x37: {  	[bflag:$0x0] =	sbarrier.arrive $0xFFFF  }
0x38: {  	p0 =	sne.s32 s0, $0x0;
	_ =	strace $0x90000047  }
0x39: {  	s0 =	sadd.s32 @!p0 $0x100000, s1;
	[bflag:$0x2] =	sbarrier.arrive $0xFFFF  }
0x3a: {  	[sflag:s0] =	ssyncadd.tile.s32 @!p0 $0x1;
	_ =	shalt  }
.Lfunc_end2:
_tile_overlayer_lowered:
.L_overlay_start_2:
0x3b: {  	(tag) =	ssettag $0x2  }
0x3c: {  	s0 =	rddreg [dreg:$0x0];
	s2 =	stileid.u32  }
0x3d: {  	s1 =	rddreg [dreg:$0x1];
	p0 =	sne.s32 s2, $0x0  }
0x3e: {  	s3 =	rddreg [dreg:$0x2];
	[bflag:$0x3] =	sbarrier.arrive $0xFFFF;
	s2 =	simm.s32 @!p0 $0x1C01  }
0x3f: {  	[timem:s3], [sflag:s2] =	dma.local @!p0 [hbm:s0], s1  }
0x40: {  	s0 =	simm.s32 @!p0 $0x1  }
0x41: {  	_ =	swait.ge @!p0 [sflag:s0], s1  }
0x42: {  	s1 =	ssub.s32 @!p0 $0x0, s1;
	[sflag:s0] =	ssyncset.done @!p0 $0x0  }
0x43: {  	[sflag:s0] =	ssyncadd.s32 @!p0 s1  }
0x44: {  	[bflag:$0x3] =	sbarrier.arrive $0xFFFF  }
0x45: {  	_ =	shalt  }

</sc_bundles>
